<compile_context>
chip_gen: v7x
topology: tpu7x:2x2x1
jax: 0.10.2.dev20260603
libtpu: 0.0.44.dev20260713+nightly
codegen_flags: <defaults>
</compile_context>

<pallas_src>
import functools

import jax
import jax.numpy as jnp
from jax import lax
from jax.experimental import pallas as pl
from jax.experimental.pallas import tpu as pltpu
from jax.experimental.pallas import tpu_sc as plsc

D_VOCAB = 50257
D_MODEL = 768
BATCH = 4
SEQ = 2048

NC = 2
NS = 16
NW = NC * NS

B_TOTAL = BATCH * SEQ
B_PER_W = B_TOTAL // NW
WPB = SEQ // B_PER_W
CHUNK = 32
NCHUNK = B_PER_W // CHUNK
NBUF = 4
DEPTH = 2


def _embed_body(table_hbm, tok_hbm, out_hbm, idx_v, rows_v, gsems, osems):
    wid = lax.axis_index("s") * NC + lax.axis_index("c")
    bidx = wid // WPB
    boff = (wid % WPB) * B_PER_W
    pltpu.sync_copy(tok_hbm.at[bidx, pl.ds(boff, B_PER_W)], idx_v)

    gathers = [None] * NCHUNK
    out_copies = [None] * NCHUNK
    out_waited = [False] * NCHUNK

    def start_gather(c):
        b = c % NBUF
        gathers[c] = pltpu.async_copy(
            table_hbm.at[idx_v.at[pl.ds(c * CHUNK, CHUNK)]],
            rows_v.at[b],
            gsems.at[b],
        )

    for c in range(DEPTH):
        start_gather(c)
    for c in range(NCHUNK):
        b = c % NBUF
        nc = c + DEPTH
        if nc < NCHUNK:
            prev = nc - NBUF
            if prev >= 0:
                out_copies[prev].wait()
                out_waited[prev] = True
            start_gather(nc)
        gathers[c].wait()
        out_copies[c] = pltpu.async_copy(
            rows_v.at[b],
            out_hbm.at[bidx, pl.ds(boff + c * CHUNK, CHUNK)],
            osems.at[b],
        )
    for c in range(NCHUNK):
        if not out_waited[c]:
            out_copies[c].wait()


@jax.jit
def _embed(tokens, W_E):
    mesh = plsc.VectorSubcoreMesh(core_axis_name="c", subcore_axis_name="s")
    run = functools.partial(
        pl.kernel,
        mesh=mesh,
        out_type=jax.ShapeDtypeStruct((BATCH, SEQ, D_MODEL), jnp.float32),
        scratch_types=[
            pltpu.VMEM((B_PER_W,), jnp.int32),
            pltpu.VMEM((NBUF, CHUNK, D_MODEL), jnp.float32),
            pltpu.SemaphoreType.DMA((NBUF,)),
            pltpu.SemaphoreType.DMA((NBUF,)),
        ],
    )(_embed_body)
    return run(W_E, tokens)


def kernel(tokens, W_E):
    return _embed(tokens.astype(jnp.int32), W_E)

# --- scband reference (transcript-rebuilt; emitter-appended) ---
"""Pipeline reference for scband-embed-5111011082485 (READ-ONLY COPY).

The authoritative reference and input builder live on the scoring server;
editing this copy changes nothing except your own understanding.
"""

import jax, jax.numpy as jnp
import numpy as np

D_VOCAB = 50257
D_MODEL = 768
BATCH = 4
SEQ = 2048
INIT_RANGE = 0.02

def setup_inputs(seed: int = 0) -> dict:
    key = jax.random.key(seed)
    k_tok, k_we = jax.random.split(key)
    tokens = jax.random.randint(k_tok, (BATCH, SEQ), 0, D_VOCAB, dtype=jnp.int64 if jax.config.jax_enable_x64 else jnp.int32)
    W_E = jax.random.normal(k_we, (D_VOCAB, D_MODEL), dtype=jnp.float32) * INIT_RANGE
    return {"tokens": tokens, "W_E": W_E}

def reference(tokens, W_E):
    # embed = self.W_E[tokens, :]
    embed = jnp.take(W_E, tokens, axis=0)
    return embed

if __name__ == "__main__":
    import jax
    _d = setup_inputs()
    print(jax.jit(kernel)(*tuple(_d.values())))

</pallas_src>

<mosaic_0001>
#map = affine_map<(d0, d1) -> (0, 0)>
#map1 = affine_map<(d0, d1) -> (0, 0, 0)>
module attributes {stable_mosaic.version = 14 : i64} {
  func.func @_embed_body(%arg0: i32, %arg1: i32, %arg2: memref<50257x768xf32, #tpu.memory_space<hbm>>, %arg3: memref<4x2048xi32, #tpu.memory_space<hbm>>, %arg4: memref<4x2048x768xf32, #tpu.memory_space<hbm>>, %arg5: memref<256xi32, #tpu.memory_space<vmem>>, %arg6: memref<4x32x768xf32, #tpu.memory_space<vmem>>, %arg7: memref<4x!tpu.dma_semaphore, #tpu.memory_space<semaphore_mem>>, %arg8: memref<4x!tpu.dma_semaphore, #tpu.memory_space<semaphore_mem>>) attributes {dimension_semantics = [#tpu.dimension_semantics<core_parallel>, #tpu.dimension_semantics<subcore_parallel>], iteration_bounds = array<i64: 2, 16>, scalar_prefetch = 0 : i64, scratch_operands = 4 : i64, tpu.core_type = #tpu.core_type<sc_vector_subcore>, window_params = [{transform_indices = #map}, {transform_indices = #map}, {transform_indices = #map1}]} {
    %mul3A = arith.constant 2 : i32
    %mul3A_0 = arith.muli %arg1, %mul3A : i32
    %add3A = arith.addi %mul3A_0, %arg0 : i32
    %jit3A = arith.constant 8 : i32
    %div3A = arith.divsi %add3A, %jit3A : i32
    %sign3A = arith.constant 0 : i32
    %sign3A_1 = arith.cmpi sgt, %add3A, %sign3A : i32
    %sign3A_2 = arith.extui %sign3A_1 : i1 to i32
    %sign3A_3 = arith.constant 0 : i32
    %sign3A_4 = arith.cmpi slt, %add3A, %sign3A_3 : i32
    %sign3A_5 = arith.extui %sign3A_4 : i1 to i32
    %sign3A_6 = arith.subi %sign3A_2, %sign3A_5 : i32
    %sign3A_7 = arith.constant 0 : i32
    %sign3A_8 = arith.cmpi sgt, %jit3A, %sign3A_7 : i32
    %sign3A_9 = arith.extui %sign3A_8 : i1 to i32
    %sign3A_10 = arith.constant 0 : i32
    %sign3A_11 = arith.cmpi slt, %jit3A, %sign3A_10 : i32
    %sign3A_12 = arith.extui %sign3A_11 : i1 to i32
    %sign3A_13 = arith.subi %sign3A_9, %sign3A_12 : i32
    %ne3A = arith.cmpi ne, %sign3A_6, %sign3A_13 : i32
    %rem3A = arith.remsi %add3A, %jit3A : i32
    %ne3A_14 = arith.constant 0 : i32
    %ne3A_15 = arith.cmpi ne, %rem3A, %ne3A_14 : i32
    %and3A = arith.andi %ne3A, %ne3A_15 : i1
    %sub3A = arith.constant 1 : i32
    %sub3A_16 = arith.subi %div3A, %sub3A : i32
    %select_n3A = arith.select %and3A, %sub3A_16, %div3A : i32
    %jit3A_17 = arith.constant 8 : i32
    %eq3A = arith.constant 0 : i32
    %eq3A_18 = arith.cmpi eq, %jit3A_17, %eq3A : i32
    %jit3A_19 = arith.constant 1 : i32
    %select_n3A_20 = arith.select %eq3A_18, %jit3A_19, %jit3A_17 : i32
    %rem3A_21 = arith.remsi %add3A, %select_n3A_20 : i32
    %ne3A_22 = arith.constant 0 : i32
    %ne3A_23 = arith.cmpi ne, %rem3A_21, %ne3A_22 : i32
    %lt3A = arith.constant 0 : i32
    %lt3A_24 = arith.cmpi slt, %rem3A_21, %lt3A : i32
    %lt3A_25 = arith.constant 0 : i32
    %lt3A_26 = arith.cmpi slt, %select_n3A_20, %lt3A_25 : i32
    %ne3A_27 = arith.xori %lt3A_24, %lt3A_26 : i1
    %and3A_28 = arith.andi %ne3A_27, %ne3A_23 : i1
    %add3A_29 = arith.addi %rem3A_21, %select_n3A_20 : i32
    %select_n3A_30 = arith.select %and3A_28, %add3A_29, %rem3A_21 : i32
    %mul3A_31 = arith.constant 256 : i32
    %mul3A_32 = arith.muli %select_n3A_30, %mul3A_31 : i32
    "tpu.region"() ({
      %run_scoped3A = tpu.sem_alloc : memref<!tpu.dma_semaphore, #tpu.memory_space<semaphore_mem>>
      %dma_start3A_543 = tpu.memref_slice %arg3[%select_n3A, %mul3A_32] : memref<4x2048xi32, #tpu.memory_space<hbm>> -> memref<1x256xi32, #tpu.memory_space<hbm>>
      %dma_start3A_544 = tpu.memref_squeeze %dma_start3A_543 : memref<1x256xi32, #tpu.memory_space<hbm>> -> memref<256xi32, #tpu.memory_space<hbm>>
      %dma_start3A_545 = tpu.memref_slice %arg3[%select_n3A, %mul3A_32] : memref<4x2048xi32, #tpu.memory_space<hbm>> -> memref<1x256xi32, #tpu.memory_space<hbm>>
      %dma_start3A_546 = tpu.memref_squeeze %dma_start3A_545 : memref<1x256xi32, #tpu.memory_space<hbm>> -> memref<256xi32, #tpu.memory_space<hbm>>
      tpu.enqueue_dma source(%dma_start3A_546 : memref<256xi32, #tpu.memory_space<hbm>>) target(%arg5 : memref<256xi32, #tpu.memory_space<vmem>>) target_semaphore(%run_scoped3A : memref<!tpu.dma_semaphore, #tpu.memory_space<semaphore_mem>>)
      %dma_wait3A_547 = tpu.memref_slice %arg3[%select_n3A, %mul3A_32] : memref<4x2048xi32, #tpu.memory_space<hbm>> -> memref<1x256xi32, #tpu.memory_space<hbm>>
      %dma_wait3A_548 = tpu.memref_squeeze %dma_wait3A_547 : memref<1x256xi32, #tpu.memory_space<hbm>> -> memref<256xi32, #tpu.memory_space<hbm>>
      %dma_wait3A_549 = tpu.memref_slice %arg3[%select_n3A, %mul3A_32] : memref<4x2048xi32, #tpu.memory_space<hbm>> -> memref<1x256xi32, #tpu.memory_space<hbm>>
      %dma_wait3A_550 = tpu.memref_squeeze %dma_wait3A_549 : memref<1x256xi32, #tpu.memory_space<hbm>> -> memref<256xi32, #tpu.memory_space<hbm>>
      tpu.wait_dma2 semaphore(%run_scoped3A : memref<!tpu.dma_semaphore, #tpu.memory_space<semaphore_mem>>) src(%dma_wait3A_550 : memref<256xi32, #tpu.memory_space<hbm>>) dst(%arg5 : memref<256xi32, #tpu.memory_space<vmem>>)
      tpu.yield
    }) : () -> ()
    %dma_start3A = arith.constant 0 : i32
    %dma_start3A_33 = arith.constant 0 : i32
    %dma_start3A_34 = arith.constant 0 : i32
    %dma_start3A_35 = arith.constant 0 : i32
    %dma_start3A_36 = tpu.memref_slice %arg6[%dma_start3A, %dma_start3A_34, %dma_start3A_35] : memref<4x32x768xf32, #tpu.memory_space<vmem>> -> memref<1x32x768xf32, #tpu.memory_space<vmem>>
    %dma_start3A_37 = tpu.memref_squeeze %dma_start3A_36 : memref<1x32x768xf32, #tpu.memory_space<vmem>> -> memref<32x768xf32, #tpu.memory_space<vmem>>
    %dma_start3A_38 = arith.constant 0 : i32
    %dma_start3A_39 = tpu.memref_slice %arg5[%dma_start3A_38] : memref<256xi32, #tpu.memory_space<vmem>> -> memref<32xi32, #tpu.memory_space<vmem>>
    %dma_start3A_40 = arith.constant 0 : i32
    %dma_start3A_41 = arith.constant 0 : i32
    %dma_start3A_42 = tpu.memref_slice %arg2[%dma_start3A_40, %dma_start3A_41] : memref<50257x768xf32, #tpu.memory_space<hbm>> -> memref<50257x768xf32, #tpu.memory_space<hbm>>
    %dma_start3A_43 = tpu.memref_slice %arg7[%dma_start3A_33] : memref<4x!tpu.dma_semaphore, #tpu.memory_space<semaphore_mem>> -> memref<1x!tpu.dma_semaphore, #tpu.memory_space<semaphore_mem>>
    %dma_start3A_44 = tpu.memref_squeeze %dma_start3A_43 : memref<1x!tpu.dma_semaphore, #tpu.memory_space<semaphore_mem>> -> memref<!tpu.dma_semaphore, #tpu.memory_space<semaphore_mem>>
    tpu.enqueue_indirect_dma source(%dma_start3A_42 : memref<50257x768xf32, #tpu.memory_space<hbm>>) target(%dma_start3A_37 : memref<32x768xf32, #tpu.memory_space<vmem>>) offsets(%dma_start3A_39 : memref<32xi32, #tpu.memory_space<vmem>>) semaphore(%dma_start3A_44 : memref<!tpu.dma_semaphore, #tpu.memory_space<semaphore_mem>>)
    %dma_start3A_45 = arith.constant 1 : i32
    %dma_start3A_46 = arith.constant 1 : i32
    %dma_start3A_47 = arith.constant 0 : i32
    %dma_start3A_48 = arith.constant 0 : i32
    %dma_start3A_49 = tpu.memref_slice %arg6[%dma_start3A_45, %dma_start3A_47, %dma_start3A_48] : memref<4x32x768xf32, #tpu.memory_space<vmem>> -> memref<1x32x768xf32, #tpu.memory_space<vmem>>
    %dma_start3A_50 = tpu.memref_squeeze %dma_start3A_49 : memref<1x32x768xf32, #tpu.memory_space<vmem>> -> memref<32x768xf32, #tpu.memory_space<vmem>>
    %dma_start3A_51 = arith.constant 32 : i32
    %dma_start3A_52 = tpu.memref_slice %arg5[%dma_start3A_51] : memref<256xi32, #tpu.memory_space<vmem>> -> memref<32xi32, #tpu.memory_space<vmem>>
    %dma_start3A_53 = arith.constant 0 : i32
    %dma_start3A_54 = arith.constant 0 : i32
    %dma_start3A_55 = tpu.memref_slice %arg2[%dma_start3A_53, %dma_start3A_54] : memref<50257x768xf32, #tpu.memory_space<hbm>> -> memref<50257x768xf32, #tpu.memory_space<hbm>>
    %dma_start3A_56 = tpu.memref_slice %arg7[%dma_start3A_46] : memref<4x!tpu.dma_semaphore, #tpu.memory_space<semaphore_mem>> -> memref<1x!tpu.dma_semaphore, #tpu.memory_space<semaphore_mem>>
    %dma_start3A_57 = tpu.memref_squeeze %dma_start3A_56 : memref<1x!tpu.dma_semaphore, #tpu.memory_space<semaphore_mem>> -> memref<!tpu.dma_semaphore, #tpu.memory_space<semaphore_mem>>
    tpu.enqueue_indirect_dma source(%dma_start3A_55 : memref<50257x768xf32, #tpu.memory_space<hbm>>) target(%dma_start3A_50 : memref<32x768xf32, #tpu.memory_space<vmem>>) offsets(%dma_start3A_52 : memref<32xi32, #tpu.memory_space<vmem>>) semaphore(%dma_start3A_57 : memref<!tpu.dma_semaphore, #tpu.memory_space<semaphore_mem>>)
    %dma_start3A_58 = arith.constant 2 : i32
    %dma_start3A_59 = arith.constant 2 : i32
    %dma_start3A_60 = arith.constant 0 : i32
    %dma_start3A_61 = arith.constant 0 : i32
    %dma_start3A_62 = tpu.memref_slice %arg6[%dma_start3A_58, %dma_start3A_60, %dma_start3A_61] : memref<4x32x768xf32, #tpu.memory_space<vmem>> -> memref<1x32x768xf32, #tpu.memory_space<vmem>>
    %dma_start3A_63 = tpu.memref_squeeze %dma_start3A_62 : memref<1x32x768xf32, #tpu.memory_space<vmem>> -> memref<32x768xf32, #tpu.memory_space<vmem>>
    %dma_start3A_64 = arith.constant 64 : i32
    %dma_start3A_65 = tpu.memref_slice %arg5[%dma_start3A_64] : memref<256xi32, #tpu.memory_space<vmem>> -> memref<32xi32, #tpu.memory_space<vmem>>
    %dma_start3A_66 = arith.constant 0 : i32
    %dma_start3A_67 = arith.constant 0 : i32
    %dma_start3A_68 = tpu.memref_slice %arg2[%dma_start3A_66, %dma_start3A_67] : memref<50257x768xf32, #tpu.memory_space<hbm>> -> memref<50257x768xf32, #tpu.memory_space<hbm>>
    %dma_start3A_69 = tpu.memref_slice %arg7[%dma_start3A_59] : memref<4x!tpu.dma_semaphore, #tpu.memory_space<semaphore_mem>> -> memref<1x!tpu.dma_semaphore, #tpu.memory_space<semaphore_mem>>
    %dma_start3A_70 = tpu.memref_squeeze %dma_start3A_69 : memref<1x!tpu.dma_semaphore, #tpu.memory_space<semaphore_mem>> -> memref<!tpu.dma_semaphore, #tpu.memory_space<semaphore_mem>>
    tpu.enqueue_indirect_dma source(%dma_start3A_68 : memref<50257x768xf32, #tpu.memory_space<hbm>>) target(%dma_start3A_63 : memref<32x768xf32, #tpu.memory_space<vmem>>) offsets(%dma_start3A_65 : memref<32xi32, #tpu.memory_space<vmem>>) semaphore(%dma_start3A_70 : memref<!tpu.dma_semaphore, #tpu.memory_space<semaphore_mem>>)
    %dma_wait3A = arith.constant 0 : i32
    %dma_wait3A_71 = arith.constant 0 : i32
    %dma_wait3A_72 = arith.constant 0 : i32
    %dma_wait3A_73 = arith.constant 0 : i32
    %dma_wait3A_74 = tpu.memref_slice %arg6[%dma_wait3A, %dma_wait3A_72, %dma_wait3A_73] : memref<4x32x768xf32, #tpu.memory_space<vmem>> -> memref<1x32x768xf32, #tpu.memory_space<vmem>>
    %dma_wait3A_75 = tpu.memref_squeeze %dma_wait3A_74 : memref<1x32x768xf32, #tpu.memory_space<vmem>> -> memref<32x768xf32, #tpu.memory_space<vmem>>
    %dma_wait3A_76 = arith.constant 0 : i32
    %dma_wait3A_77 = tpu.memref_slice %arg5[%dma_wait3A_76] : memref<256xi32, #tpu.memory_space<vmem>> -> memref<32xi32, #tpu.memory_space<vmem>>
    %dma_wait3A_78 = arith.constant 0 : i32
    %dma_wait3A_79 = arith.constant 0 : i32
    %dma_wait3A_80 = tpu.memref_slice %arg2[%dma_wait3A_78, %dma_wait3A_79] : memref<50257x768xf32, #tpu.memory_space<hbm>> -> memref<50257x768xf32, #tpu.memory_space<hbm>>
    %dma_wait3A_81 = tpu.memref_slice %arg7[%dma_wait3A_71] : memref<4x!tpu.dma_semaphore, #tpu.memory_space<semaphore_mem>> -> memref<1x!tpu.dma_semaphore, #tpu.memory_space<semaphore_mem>>
    %dma_wait3A_82 = tpu.memref_squeeze %dma_wait3A_81 : memref<1x!tpu.dma_semaphore, #tpu.memory_space<semaphore_mem>> -> memref<!tpu.dma_semaphore, #tpu.memory_space<semaphore_mem>>
    tpu.wait_indirect_dma semaphore(%dma_wait3A_82 : memref<!tpu.dma_semaphore, #tpu.memory_space<semaphore_mem>>) src(%dma_wait3A_80 : memref<50257x768xf32, #tpu.memory_space<hbm>>) dst(%dma_wait3A_75 : memref<32x768xf32, #tpu.memory_space<vmem>>)
    %add3A_83 = arith.constant 0 : i32
    %add3A_84 = arith.addi %mul3A_32, %add3A_83 : i32
    %dma_start3A_85 = arith.constant 0 : i32
    %dma_start3A_86 = arith.constant 0 : i32
    %dma_start3A_87 = arith.constant 0 : i32
    %dma_start3A_88 = arith.constant 0 : i32
    %dma_start3A_89 = tpu.memref_slice %arg6[%dma_start3A_85, %dma_start3A_87, %dma_start3A_88] : memref<4x32x768xf32, #tpu.memory_space<vmem>> -> memref<1x32x768xf32, #tpu.memory_space<vmem>>
    %dma_start3A_90 = tpu.memref_squeeze %dma_start3A_89 : memref<1x32x768xf32, #tpu.memory_space<vmem>> -> memref<32x768xf32, #tpu.memory_space<vmem>>
    %dma_start3A_91 = arith.constant 0 : i32
    %dma_start3A_92 = tpu.memref_slice %arg4[%select_n3A, %add3A_84, %dma_start3A_91] : memref<4x2048x768xf32, #tpu.memory_space<hbm>> -> memref<1x32x768xf32, #tpu.memory_space<hbm>>
    %dma_start3A_93 = tpu.memref_squeeze %dma_start3A_92 : memref<1x32x768xf32, #tpu.memory_space<hbm>> -> memref<32x768xf32, #tpu.memory_space<hbm>>
    %dma_start3A_94 = tpu.memref_slice %arg8[%dma_start3A_86] : memref<4x!tpu.dma_semaphore, #tpu.memory_space<semaphore_mem>> -> memref<1x!tpu.dma_semaphore, #tpu.memory_space<semaphore_mem>>
    %dma_start3A_95 = tpu.memref_squeeze %dma_start3A_94 : memref<1x!tpu.dma_semaphore, #tpu.memory_space<semaphore_mem>> -> memref<!tpu.dma_semaphore, #tpu.memory_space<semaphore_mem>>
    %dma_start3A_96 = arith.constant 0 : i32
    %dma_start3A_97 = tpu.memref_slice %arg4[%select_n3A, %add3A_84, %dma_start3A_96] : memref<4x2048x768xf32, #tpu.memory_space<hbm>> -> memref<1x32x768xf32, #tpu.memory_space<hbm>>
    %dma_start3A_98 = tpu.memref_squeeze %dma_start3A_97 : memref<1x32x768xf32, #tpu.memory_space<hbm>> -> memref<32x768xf32, #tpu.memory_space<hbm>>
    %dma_start3A_99 = arith.constant 0 : i32
    %dma_start3A_100 = arith.constant 0 : i32
    %dma_start3A_101 = tpu.memref_slice %arg6[%dma_start3A_85, %dma_start3A_99, %dma_start3A_100] : memref<4x32x768xf32, #tpu.memory_space<vmem>> -> memref<1x32x768xf32, #tpu.memory_space<vmem>>
    %dma_start3A_102 = tpu.memref_squeeze %dma_start3A_101 : memref<1x32x768xf32, #tpu.memory_space<vmem>> -> memref<32x768xf32, #tpu.memory_space<vmem>>
    tpu.enqueue_dma source(%dma_start3A_102 : memref<32x768xf32, #tpu.memory_space<vmem>>) target(%dma_start3A_98 : memref<32x768xf32, #tpu.memory_space<hbm>>) target_semaphore(%dma_start3A_95 : memref<!tpu.dma_semaphore, #tpu.memory_space<semaphore_mem>>)
    %dma_start3A_103 = arith.constant 3 : i32
    %dma_start3A_104 = arith.constant 3 : i32
    %dma_start3A_105 = arith.constant 0 : i32
    %dma_start3A_106 = arith.constant 0 : i32
    %dma_start3A_107 = tpu.memref_slice %arg6[%dma_start3A_103, %dma_start3A_105, %dma_start3A_106] : memref<4x32x768xf32, #tpu.memory_space<vmem>> -> memref<1x32x768xf32, #tpu.memory_space<vmem>>
    %dma_start3A_108 = tpu.memref_squeeze %dma_start3A_107 : memref<1x32x768xf32, #tpu.memory_space<vmem>> -> memref<32x768xf32, #tpu.memory_space<vmem>>
    %dma_start3A_109 = arith.constant 96 : i32
    %dma_start3A_110 = tpu.memref_slice %arg5[%dma_start3A_109] : memref<256xi32, #tpu.memory_space<vmem>> -> memref<32xi32, #tpu.memory_space<vmem>>
    %dma_start3A_111 = arith.constant 0 : i32
    %dma_start3A_112 = arith.constant 0 : i32
    %dma_start3A_113 = tpu.memref_slice %arg2[%dma_start3A_111, %dma_start3A_112] : memref<50257x768xf32, #tpu.memory_space<hbm>> -> memref<50257x768xf32, #tpu.memory_space<hbm>>
    %dma_start3A_114 = tpu.memref_slice %arg7[%dma_start3A_104] : memref<4x!tpu.dma_semaphore, #tpu.memory_space<semaphore_mem>> -> memref<1x!tpu.dma_semaphore, #tpu.memory_space<semaphore_mem>>
    %dma_start3A_115 = tpu.memref_squeeze %dma_start3A_114 : memref<1x!tpu.dma_semaphore, #tpu.memory_space<semaphore_mem>> -> memref<!tpu.dma_semaphore, #tpu.memory_space<semaphore_mem>>
    tpu.enqueue_indirect_dma source(%dma_start3A_113 : memref<50257x768xf32, #tpu.memory_space<hbm>>) target(%dma_start3A_108 : memref<32x768xf32, #tpu.memory_space<vmem>>) offsets(%dma_start3A_110 : memref<32xi32, #tpu.memory_space<vmem>>) semaphore(%dma_start3A_115 : memref<!tpu.dma_semaphore, #tpu.memory_space<semaphore_mem>>)
    %dma_wait3A_116 = arith.constant 1 : i32
    %dma_wait3A_117 = arith.constant 1 : i32
    %dma_wait3A_118 = arith.constant 0 : i32
    %dma_wait3A_119 = arith.constant 0 : i32
    %dma_wait3A_120 = tpu.memref_slice %arg6[%dma_wait3A_116, %dma_wait3A_118, %dma_wait3A_119] : memref<4x32x768xf32, #tpu.memory_space<vmem>> -> memref<1x32x768xf32, #tpu.memory_space<vmem>>
    %dma_wait3A_121 = tpu.memref_squeeze %dma_wait3A_120 : memref<1x32x768xf32, #tpu.memory_space<vmem>> -> memref<32x768xf32, #tpu.memory_space<vmem>>
    %dma_wait3A_122 = arith.constant 32 : i32
    %dma_wait3A_123 = tpu.memref_slice %arg5[%dma_wait3A_122] : memref<256xi32, #tpu.memory_space<vmem>> -> memref<32xi32, #tpu.memory_space<vmem>>
    %dma_wait3A_124 = arith.constant 0 : i32
    %dma_wait3A_125 = arith.constant 0 : i32
    %dma_wait3A_126 = tpu.memref_slice %arg2[%dma_wait3A_124, %dma_wait3A_125] : memref<50257x768xf32, #tpu.memory_space<hbm>> -> memref<50257x768xf32, #tpu.memory_space<hbm>>
    %dma_wait3A_127 = tpu.memref_slice %arg7[%dma_wait3A_117] : memref<4x!tpu.dma_semaphore, #tpu.memory_space<semaphore_mem>> -> memref<1x!tpu.dma_semaphore, #tpu.memory_space<semaphore_mem>>
    %dma_wait3A_128 = tpu.memref_squeeze %dma_wait3A_127 : memref<1x!tpu.dma_semaphore, #tpu.memory_space<semaphore_mem>> -> memref<!tpu.dma_semaphore, #tpu.memory_space<semaphore_mem>>
    tpu.wait_indirect_dma semaphore(%dma_wait3A_128 : memref<!tpu.dma_semaphore, #tpu.memory_space<semaphore_mem>>) src(%dma_wait3A_126 : memref<50257x768xf32, #tpu.memory_space<hbm>>) dst(%dma_wait3A_121 : memref<32x768xf32, #tpu.memory_space<vmem>>)
    %add3A_129 = arith.constant 32 : i32
    %add3A_130 = arith.addi %mul3A_32, %add3A_129 : i32
    %dma_start3A_131 = arith.constant 1 : i32
    %dma_start3A_132 = arith.constant 1 : i32
    %dma_start3A_133 = arith.constant 0 : i32
    %dma_start3A_134 = arith.constant 0 : i32
    %dma_start3A_135 = tpu.memref_slice %arg6[%dma_start3A_131, %dma_start3A_133, %dma_start3A_134] : memref<4x32x768xf32, #tpu.memory_space<vmem>> -> memref<1x32x768xf32, #tpu.memory_space<vmem>>
    %dma_start3A_136 = tpu.memref_squeeze %dma_start3A_135 : memref<1x32x768xf32, #tpu.memory_space<vmem>> -> memref<32x768xf32, #tpu.memory_space<vmem>>
    %dma_start3A_137 = arith.constant 0 : i32
    %dma_start3A_138 = tpu.memref_slice %arg4[%select_n3A, %add3A_130, %dma_start3A_137] : memref<4x2048x768xf32, #tpu.memory_space<hbm>> -> memref<1x32x768xf32, #tpu.memory_space<hbm>>
    %dma_start3A_139 = tpu.memref_squeeze %dma_start3A_138 : memref<1x32x768xf32, #tpu.memory_space<hbm>> -> memref<32x768xf32, #tpu.memory_space<hbm>>
    %dma_start3A_140 = tpu.memref_slice %arg8[%dma_start3A_132] : memref<4x!tpu.dma_semaphore, #tpu.memory_space<semaphore_mem>> -> memref<1x!tpu.dma_semaphore, #tpu.memory_space<semaphore_mem>>
    %dma_start3A_141 = tpu.memref_squeeze %dma_start3A_140 : memref<1x!tpu.dma_semaphore, #tpu.memory_space<semaphore_mem>> -> memref<!tpu.dma_semaphore, #tpu.memory_space<semaphore_mem>>
    %dma_start3A_142 = arith.constant 0 : i32
    %dma_start3A_143 = tpu.memref_slice %arg4[%select_n3A, %add3A_130, %dma_start3A_142] : memref<4x2048x768xf32, #tpu.memory_space<hbm>> -> memref<1x32x768xf32, #tpu.memory_space<hbm>>
    %dma_start3A_144 = tpu.memref_squeeze %dma_start3A_143 : memref<1x32x768xf32, #tpu.memory_space<hbm>> -> memref<32x768xf32, #tpu.memory_space<hbm>>
    %dma_start3A_145 = arith.constant 0 : i32
    %dma_start3A_146 = arith.constant 0 : i32
    %dma_start3A_147 = tpu.memref_slice %arg6[%dma_start3A_131, %dma_start3A_145, %dma_start3A_146] : memref<4x32x768xf32, #tpu.memory_space<vmem>> -> memref<1x32x768xf32, #tpu.memory_space<vmem>>
    %dma_start3A_148 = tpu.memref_squeeze %dma_start3A_147 : memref<1x32x768xf32, #tpu.memory_space<vmem>> -> memref<32x768xf32, #tpu.memory_space<vmem>>
    tpu.enqueue_dma source(%dma_start3A_148 : memref<32x768xf32, #tpu.memory_space<vmem>>) target(%dma_start3A_144 : memref<32x768xf32, #tpu.memory_space<hbm>>) target_semaphore(%dma_start3A_141 : memref<!tpu.dma_semaphore, #tpu.memory_space<semaphore_mem>>)
    %dma_wait3A_149 = arith.constant 0 : i32
    %dma_wait3A_150 = arith.constant 0 : i32
    %dma_wait3A_151 = arith.constant 0 : i32
    %dma_wait3A_152 = arith.constant 0 : i32
    %dma_wait3A_153 = tpu.memref_slice %arg6[%dma_wait3A_149, %dma_wait3A_151, %dma_wait3A_152] : memref<4x32x768xf32, #tpu.memory_space<vmem>> -> memref<1x32x768xf32, #tpu.memory_space<vmem>>
    %dma_wait3A_154 = tpu.memref_squeeze %dma_wait3A_153 : memref<1x32x768xf32, #tpu.memory_space<vmem>> -> memref<32x768xf32, #tpu.memory_space<vmem>>
    %dma_wait3A_155 = arith.constant 0 : i32
    %dma_wait3A_156 = tpu.memref_slice %arg4[%select_n3A, %add3A_84, %dma_wait3A_155] : memref<4x2048x768xf32, #tpu.memory_space<hbm>> -> memref<1x32x768xf32, #tpu.memory_space<hbm>>
    %dma_wait3A_157 = tpu.memref_squeeze %dma_wait3A_156 : memref<1x32x768xf32, #tpu.memory_space<hbm>> -> memref<32x768xf32, #tpu.memory_space<hbm>>
    %dma_wait3A_158 = tpu.memref_slice %arg8[%dma_wait3A_150] : memref<4x!tpu.dma_semaphore, #tpu.memory_space<semaphore_mem>> -> memref<1x!tpu.dma_semaphore, #tpu.memory_space<semaphore_mem>>
    %dma_wait3A_159 = tpu.memref_squeeze %dma_wait3A_158 : memref<1x!tpu.dma_semaphore, #tpu.memory_space<semaphore_mem>> -> memref<!tpu.dma_semaphore, #tpu.memory_space<semaphore_mem>>
    %dma_wait3A_160 = arith.constant 0 : i32
    %dma_wait3A_161 = tpu.memref_slice %arg4[%select_n3A, %add3A_84, %dma_wait3A_160] : memref<4x2048x768xf32, #tpu.memory_space<hbm>> -> memref<1x32x768xf32, #tpu.memory_space<hbm>>
    %dma_wait3A_162 = tpu.memref_squeeze %dma_wait3A_161 : memref<1x32x768xf32, #tpu.memory_space<hbm>> -> memref<32x768xf32, #tpu.memory_space<hbm>>
    %dma_wait3A_163 = arith.constant 0 : i32
    %dma_wait3A_164 = arith.constant 0 : i32
    %dma_wait3A_165 = tpu.memref_slice %arg6[%dma_wait3A_149, %dma_wait3A_163, %dma_wait3A_164] : memref<4x32x768xf32, #tpu.memory_space<vmem>> -> memref<1x32x768xf32, #tpu.memory_space<vmem>>
    %dma_wait3A_166 = tpu.memref_squeeze %dma_wait3A_165 : memref<1x32x768xf32, #tpu.memory_space<vmem>> -> memref<32x768xf32, #tpu.memory_space<vmem>>
    tpu.wait_dma2 semaphore(%dma_wait3A_159 : memref<!tpu.dma_semaphore, #tpu.memory_space<semaphore_mem>>) src(%dma_wait3A_166 : memref<32x768xf32, #tpu.memory_space<vmem>>) dst(%dma_wait3A_162 : memref<32x768xf32, #tpu.memory_space<hbm>>)
    %dma_start3A_167 = arith.constant 0 : i32
    %dma_start3A_168 = arith.constant 0 : i32
    %dma_start3A_169 = arith.constant 0 : i32
    %dma_start3A_170 = arith.constant 0 : i32
    %dma_start3A_171 = tpu.memref_slice %arg6[%dma_start3A_167, %dma_start3A_169, %dma_start3A_170] : memref<4x32x768xf32, #tpu.memory_space<vmem>> -> memref<1x32x768xf32, #tpu.memory_space<vmem>>
    %dma_start3A_172 = tpu.memref_squeeze %dma_start3A_171 : memref<1x32x768xf32, #tpu.memory_space<vmem>> -> memref<32x768xf32, #tpu.memory_space<vmem>>
    %dma_start3A_173 = arith.constant 128 : i32
    %dma_start3A_174 = tpu.memref_slice %arg5[%dma_start3A_173] : memref<256xi32, #tpu.memory_space<vmem>> -> memref<32xi32, #tpu.memory_space<vmem>>
    %dma_start3A_175 = arith.constant 0 : i32
    %dma_start3A_176 = arith.constant 0 : i32
    %dma_start3A_177 = tpu.memref_slice %arg2[%dma_start3A_175, %dma_start3A_176] : memref<50257x768xf32, #tpu.memory_space<hbm>> -> memref<50257x768xf32, #tpu.memory_space<hbm>>
    %dma_start3A_178 = tpu.memref_slice %arg7[%dma_start3A_168] : memref<4x!tpu.dma_semaphore, #tpu.memory_space<semaphore_mem>> -> memref<1x!tpu.dma_semaphore, #tpu.memory_space<semaphore_mem>>
    %dma_start3A_179 = tpu.memref_squeeze %dma_start3A_178 : memref<1x!tpu.dma_semaphore, #tpu.memory_space<semaphore_mem>> -> memref<!tpu.dma_semaphore, #tpu.memory_space<semaphore_mem>>
    tpu.enqueue_indirect_dma source(%dma_start3A_177 : memref<50257x768xf32, #tpu.memory_space<hbm>>) target(%dma_start3A_172 : memref<32x768xf32, #tpu.memory_space<vmem>>) offsets(%dma_start3A_174 : memref<32xi32, #tpu.memory_space<vmem>>) semaphore(%dma_start3A_179 : memref<!tpu.dma_semaphore, #tpu.memory_space<semaphore_mem>>)
    %dma_wait3A_180 = arith.constant 2 : i32
    %dma_wait3A_181 = arith.constant 2 : i32
    %dma_wait3A_182 = arith.constant 0 : i32
    %dma_wait3A_183 = arith.constant 0 : i32
    %dma_wait3A_184 = tpu.memref_slice %arg6[%dma_wait3A_180, %dma_wait3A_182, %dma_wait3A_183] : memref<4x32x768xf32, #tpu.memory_space<vmem>> -> memref<1x32x768xf32, #tpu.memory_space<vmem>>
    %dma_wait3A_185 = tpu.memref_squeeze %dma_wait3A_184 : memref<1x32x768xf32, #tpu.memory_space<vmem>> -> memref<32x768xf32, #tpu.memory_space<vmem>>
    %dma_wait3A_186 = arith.constant 64 : i32
    %dma_wait3A_187 = tpu.memref_slice %arg5[%dma_wait3A_186] : memref<256xi32, #tpu.memory_space<vmem>> -> memref<32xi32, #tpu.memory_space<vmem>>
    %dma_wait3A_188 = arith.constant 0 : i32
    %dma_wait3A_189 = arith.constant 0 : i32
    %dma_wait3A_190 = tpu.memref_slice %arg2[%dma_wait3A_188, %dma_wait3A_189] : memref<50257x768xf32, #tpu.memory_space<hbm>> -> memref<50257x768xf32, #tpu.memory_space<hbm>>
    %dma_wait3A_191 = tpu.memref_slice %arg7[%dma_wait3A_181] : memref<4x!tpu.dma_semaphore, #tpu.memory_space<semaphore_mem>> -> memref<1x!tpu.dma_semaphore, #tpu.memory_space<semaphore_mem>>
    %dma_wait3A_192 = tpu.memref_squeeze %dma_wait3A_191 : memref<1x!tpu.dma_semaphore, #tpu.memory_space<semaphore_mem>> -> memref<!tpu.dma_semaphore, #tpu.memory_space<semaphore_mem>>
    tpu.wait_indirect_dma semaphore(%dma_wait3A_192 : memref<!tpu.dma_semaphore, #tpu.memory_space<semaphore_mem>>) src(%dma_wait3A_190 : memref<50257x768xf32, #tpu.memory_space<hbm>>) dst(%dma_wait3A_185 : memref<32x768xf32, #tpu.memory_space<vmem>>)
    %add3A_193 = arith.constant 64 : i32
    %add3A_194 = arith.addi %mul3A_32, %add3A_193 : i32
    %dma_start3A_195 = arith.constant 2 : i32
    %dma_start3A_196 = arith.constant 2 : i32
    %dma_start3A_197 = arith.constant 0 : i32
    %dma_start3A_198 = arith.constant 0 : i32
    %dma_start3A_199 = tpu.memref_slice %arg6[%dma_start3A_195, %dma_start3A_197, %dma_start3A_198] : memref<4x32x768xf32, #tpu.memory_space<vmem>> -> memref<1x32x768xf32, #tpu.memory_space<vmem>>
    %dma_start3A_200 = tpu.memref_squeeze %dma_start3A_199 : memref<1x32x768xf32, #tpu.memory_space<vmem>> -> memref<32x768xf32, #tpu.memory_space<vmem>>
    %dma_start3A_201 = arith.constant 0 : i32
    %dma_start3A_202 = tpu.memref_slice %arg4[%select_n3A, %add3A_194, %dma_start3A_201] : memref<4x2048x768xf32, #tpu.memory_space<hbm>> -> memref<1x32x768xf32, #tpu.memory_space<hbm>>
    %dma_start3A_203 = tpu.memref_squeeze %dma_start3A_202 : memref<1x32x768xf32, #tpu.memory_space<hbm>> -> memref<32x768xf32, #tpu.memory_space<hbm>>
    %dma_start3A_204 = tpu.memref_slice %arg8[%dma_start3A_196] : memref<4x!tpu.dma_semaphore, #tpu.memory_space<semaphore_mem>> -> memref<1x!tpu.dma_semaphore, #tpu.memory_space<semaphore_mem>>
    %dma_start3A_205 = tpu.memref_squeeze %dma_start3A_204 : memref<1x!tpu.dma_semaphore, #tpu.memory_space<semaphore_mem>> -> memref<!tpu.dma_semaphore, #tpu.memory_space<semaphore_mem>>
    %dma_start3A_206 = arith.constant 0 : i32
    %dma_start3A_207 = tpu.memref_slice %arg4[%select_n3A, %add3A_194, %dma_start3A_206] : memref<4x2048x768xf32, #tpu.memory_space<hbm>> -> memref<1x32x768xf32, #tpu.memory_space<hbm>>
    %dma_start3A_208 = tpu.memref_squeeze %dma_start3A_207 : memref<1x32x768xf32, #tpu.memory_space<hbm>> -> memref<32x768xf32, #tpu.memory_space<hbm>>
    %dma_start3A_209 = arith.constant 0 : i32
    %dma_start3A_210 = arith.constant 0 : i32
    %dma_start3A_211 = tpu.memref_slice %arg6[%dma_start3A_195, %dma_start3A_209, %dma_start3A_210] : memref<4x32x768xf32, #tpu.memory_space<vmem>> -> memref<1x32x768xf32, #tpu.memory_space<vmem>>
    %dma_start3A_212 = tpu.memref_squeeze %dma_start3A_211 : memref<1x32x768xf32, #tpu.memory_space<vmem>> -> memref<32x768xf32, #tpu.memory_space<vmem>>
    tpu.enqueue_dma source(%dma_start3A_212 : memref<32x768xf32, #tpu.memory_space<vmem>>) target(%dma_start3A_208 : memref<32x768xf32, #tpu.memory_space<hbm>>) target_semaphore(%dma_start3A_205 : memref<!tpu.dma_semaphore, #tpu.memory_space<semaphore_mem>>)
    %dma_wait3A_213 = arith.constant 1 : i32
    %dma_wait3A_214 = arith.constant 1 : i32
    %dma_wait3A_215 = arith.constant 0 : i32
    %dma_wait3A_216 = arith.constant 0 : i32
    %dma_wait3A_217 = tpu.memref_slice %arg6[%dma_wait3A_213, %dma_wait3A_215, %dma_wait3A_216] : memref<4x32x768xf32, #tpu.memory_space<vmem>> -> memref<1x32x768xf32, #tpu.memory_space<vmem>>
    %dma_wait3A_218 = tpu.memref_squeeze %dma_wait3A_217 : memref<1x32x768xf32, #tpu.memory_space<vmem>> -> memref<32x768xf32, #tpu.memory_space<vmem>>
    %dma_wait3A_219 = arith.constant 0 : i32
    %dma_wait3A_220 = tpu.memref_slice %arg4[%select_n3A, %add3A_130, %dma_wait3A_219] : memref<4x2048x768xf32, #tpu.memory_space<hbm>> -> memref<1x32x768xf32, #tpu.memory_space<hbm>>
    %dma_wait3A_221 = tpu.memref_squeeze %dma_wait3A_220 : memref<1x32x768xf32, #tpu.memory_space<hbm>> -> memref<32x768xf32, #tpu.memory_space<hbm>>
    %dma_wait3A_222 = tpu.memref_slice %arg8[%dma_wait3A_214] : memref<4x!tpu.dma_semaphore, #tpu.memory_space<semaphore_mem>> -> memref<1x!tpu.dma_semaphore, #tpu.memory_space<semaphore_mem>>
    %dma_wait3A_223 = tpu.memref_squeeze %dma_wait3A_222 : memref<1x!tpu.dma_semaphore, #tpu.memory_space<semaphore_mem>> -> memref<!tpu.dma_semaphore, #tpu.memory_space<semaphore_mem>>
    %dma_wait3A_224 = arith.constant 0 : i32
    %dma_wait3A_225 = tpu.memref_slice %arg4[%select_n3A, %add3A_130, %dma_wait3A_224] : memref<4x2048x768xf32, #tpu.memory_space<hbm>> -> memref<1x32x768xf32, #tpu.memory_space<hbm>>
    %dma_wait3A_226 = tpu.memref_squeeze %dma_wait3A_225 : memref<1x32x768xf32, #tpu.memory_space<hbm>> -> memref<32x768xf32, #tpu.memory_space<hbm>>
    %dma_wait3A_227 = arith.constant 0 : i32
    %dma_wait3A_228 = arith.constant 0 : i32
    %dma_wait3A_229 = tpu.memref_slice %arg6[%dma_wait3A_213, %dma_wait3A_227, %dma_wait3A_228] : memref<4x32x768xf32, #tpu.memory_space<vmem>> -> memref<1x32x768xf32, #tpu.memory_space<vmem>>
    %dma_wait3A_230 = tpu.memref_squeeze %dma_wait3A_229 : memref<1x32x768xf32, #tpu.memory_space<vmem>> -> memref<32x768xf32, #tpu.memory_space<vmem>>
    tpu.wait_dma2 semaphore(%dma_wait3A_223 : memref<!tpu.dma_semaphore, #tpu.memory_space<semaphore_mem>>) src(%dma_wait3A_230 : memref<32x768xf32, #tpu.memory_space<vmem>>) dst(%dma_wait3A_226 : memref<32x768xf32, #tpu.memory_space<hbm>>)
    %dma_start3A_231 = arith.constant 1 : i32
    %dma_start3A_232 = arith.constant 1 : i32
    %dma_start3A_233 = arith.constant 0 : i32
    %dma_start3A_234 = arith.constant 0 : i32
    %dma_start3A_235 = tpu.memref_slice %arg6[%dma_start3A_231, %dma_start3A_233, %dma_start3A_234] : memref<4x32x768xf32, #tpu.memory_space<vmem>> -> memref<1x32x768xf32, #tpu.memory_space<vmem>>
    %dma_start3A_236 = tpu.memref_squeeze %dma_start3A_235 : memref<1x32x768xf32, #tpu.memory_space<vmem>> -> memref<32x768xf32, #tpu.memory_space<vmem>>
    %dma_start3A_237 = arith.constant 160 : i32
    %dma_start3A_238 = tpu.memref_slice %arg5[%dma_start3A_237] : memref<256xi32, #tpu.memory_space<vmem>> -> memref<32xi32, #tpu.memory_space<vmem>>
    %dma_start3A_239 = arith.constant 0 : i32
    %dma_start3A_240 = arith.constant 0 : i32
    %dma_start3A_241 = tpu.memref_slice %arg2[%dma_start3A_239, %dma_start3A_240] : memref<50257x768xf32, #tpu.memory_space<hbm>> -> memref<50257x768xf32, #tpu.memory_space<hbm>>
    %dma_start3A_242 = tpu.memref_slice %arg7[%dma_start3A_232] : memref<4x!tpu.dma_semaphore, #tpu.memory_space<semaphore_mem>> -> memref<1x!tpu.dma_semaphore, #tpu.memory_space<semaphore_mem>>
    %dma_start3A_243 = tpu.memref_squeeze %dma_start3A_242 : memref<1x!tpu.dma_semaphore, #tpu.memory_space<semaphore_mem>> -> memref<!tpu.dma_semaphore, #tpu.memory_space<semaphore_mem>>
    tpu.enqueue_indirect_dma source(%dma_start3A_241 : memref<50257x768xf32, #tpu.memory_space<hbm>>) target(%dma_start3A_236 : memref<32x768xf32, #tpu.memory_space<vmem>>) offsets(%dma_start3A_238 : memref<32xi32, #tpu.memory_space<vmem>>) semaphore(%dma_start3A_243 : memref<!tpu.dma_semaphore, #tpu.memory_space<semaphore_mem>>)
    %dma_wait3A_244 = arith.constant 3 : i32
    %dma_wait3A_245 = arith.constant 3 : i32
    %dma_wait3A_246 = arith.constant 0 : i32
    %dma_wait3A_247 = arith.constant 0 : i32
    %dma_wait3A_248 = tpu.memref_slice %arg6[%dma_wait3A_244, %dma_wait3A_246, %dma_wait3A_247] : memref<4x32x768xf32, #tpu.memory_space<vmem>> -> memref<1x32x768xf32, #tpu.memory_space<vmem>>
    %dma_wait3A_249 = tpu.memref_squeeze %dma_wait3A_248 : memref<1x32x768xf32, #tpu.memory_space<vmem>> -> memref<32x768xf32, #tpu.memory_space<vmem>>
    %dma_wait3A_250 = arith.constant 96 : i32
    %dma_wait3A_251 = tpu.memref_slice %arg5[%dma_wait3A_250] : memref<256xi32, #tpu.memory_space<vmem>> -> memref<32xi32, #tpu.memory_space<vmem>>
    %dma_wait3A_252 = arith.constant 0 : i32
    %dma_wait3A_253 = arith.constant 0 : i32
    %dma_wait3A_254 = tpu.memref_slice %arg2[%dma_wait3A_252, %dma_wait3A_253] : memref<50257x768xf32, #tpu.memory_space<hbm>> -> memref<50257x768xf32, #tpu.memory_space<hbm>>
    %dma_wait3A_255 = tpu.memref_slice %arg7[%dma_wait3A_245] : memref<4x!tpu.dma_semaphore, #tpu.memory_space<semaphore_mem>> -> memref<1x!tpu.dma_semaphore, #tpu.memory_space<semaphore_mem>>
    %dma_wait3A_256 = tpu.memref_squeeze %dma_wait3A_255 : memref<1x!tpu.dma_semaphore, #tpu.memory_space<semaphore_mem>> -> memref<!tpu.dma_semaphore, #tpu.memory_space<semaphore_mem>>
    tpu.wait_indirect_dma semaphore(%dma_wait3A_256 : memref<!tpu.dma_semaphore, #tpu.memory_space<semaphore_mem>>) src(%dma_wait3A_254 : memref<50257x768xf32, #tpu.memory_space<hbm>>) dst(%dma_wait3A_249 : memref<32x768xf32, #tpu.memory_space<vmem>>)
    %add3A_257 = arith.constant 96 : i32
    %add3A_258 = arith.addi %mul3A_32, %add3A_257 : i32
    %dma_start3A_259 = arith.constant 3 : i32
    %dma_start3A_260 = arith.constant 3 : i32
    %dma_start3A_261 = arith.constant 0 : i32
    %dma_start3A_262 = arith.constant 0 : i32
    %dma_start3A_263 = tpu.memref_slice %arg6[%dma_start3A_259, %dma_start3A_261, %dma_start3A_262] : memref<4x32x768xf32, #tpu.memory_space<vmem>> -> memref<1x32x768xf32, #tpu.memory_space<vmem>>
    %dma_start3A_264 = tpu.memref_squeeze %dma_start3A_263 : memref<1x32x768xf32, #tpu.memory_space<vmem>> -> memref<32x768xf32, #tpu.memory_space<vmem>>
    %dma_start3A_265 = arith.constant 0 : i32
    %dma_start3A_266 = tpu.memref_slice %arg4[%select_n3A, %add3A_258, %dma_start3A_265] : memref<4x2048x768xf32, #tpu.memory_space<hbm>> -> memref<1x32x768xf32, #tpu.memory_space<hbm>>
    %dma_start3A_267 = tpu.memref_squeeze %dma_start3A_266 : memref<1x32x768xf32, #tpu.memory_space<hbm>> -> memref<32x768xf32, #tpu.memory_space<hbm>>
    %dma_start3A_268 = tpu.memref_slice %arg8[%dma_start3A_260] : memref<4x!tpu.dma_semaphore, #tpu.memory_space<semaphore_mem>> -> memref<1x!tpu.dma_semaphore, #tpu.memory_space<semaphore_mem>>
    %dma_start3A_269 = tpu.memref_squeeze %dma_start3A_268 : memref<1x!tpu.dma_semaphore, #tpu.memory_space<semaphore_mem>> -> memref<!tpu.dma_semaphore, #tpu.memory_space<semaphore_mem>>
    %dma_start3A_270 = arith.constant 0 : i32
    %dma_start3A_271 = tpu.memref_slice %arg4[%select_n3A, %add3A_258, %dma_start3A_270] : memref<4x2048x768xf32, #tpu.memory_space<hbm>> -> memref<1x32x768xf32, #tpu.memory_space<hbm>>
    %dma_start3A_272 = tpu.memref_squeeze %dma_start3A_271 : memref<1x32x768xf32, #tpu.memory_space<hbm>> -> memref<32x768xf32, #tpu.memory_space<hbm>>
    %dma_start3A_273 = arith.constant 0 : i32
    %dma_start3A_274 = arith.constant 0 : i32
    %dma_start3A_275 = tpu.memref_slice %arg6[%dma_start3A_259, %dma_start3A_273, %dma_start3A_274] : memref<4x32x768xf32, #tpu.memory_space<vmem>> -> memref<1x32x768xf32, #tpu.memory_space<vmem>>
    %dma_start3A_276 = tpu.memref_squeeze %dma_start3A_275 : memref<1x32x768xf32, #tpu.memory_space<vmem>> -> memref<32x768xf32, #tpu.memory_space<vmem>>
    tpu.enqueue_dma source(%dma_start3A_276 : memref<32x768xf32, #tpu.memory_space<vmem>>) target(%dma_start3A_272 : memref<32x768xf32, #tpu.memory_space<hbm>>) target_semaphore(%dma_start3A_269 : memref<!tpu.dma_semaphore, #tpu.memory_space<semaphore_mem>>)
    %dma_wait3A_277 = arith.constant 2 : i32
    %dma_wait3A_278 = arith.constant 2 : i32
    %dma_wait3A_279 = arith.constant 0 : i32
    %dma_wait3A_280 = arith.constant 0 : i32
    %dma_wait3A_281 = tpu.memref_slice %arg6[%dma_wait3A_277, %dma_wait3A_279, %dma_wait3A_280] : memref<4x32x768xf32, #tpu.memory_space<vmem>> -> memref<1x32x768xf32, #tpu.memory_space<vmem>>
    %dma_wait3A_282 = tpu.memref_squeeze %dma_wait3A_281 : memref<1x32x768xf32, #tpu.memory_space<vmem>> -> memref<32x768xf32, #tpu.memory_space<vmem>>
    %dma_wait3A_283 = arith.constant 0 : i32
    %dma_wait3A_284 = tpu.memref_slice %arg4[%select_n3A, %add3A_194, %dma_wait3A_283] : memref<4x2048x768xf32, #tpu.memory_space<hbm>> -> memref<1x32x768xf32, #tpu.memory_space<hbm>>
    %dma_wait3A_285 = tpu.memref_squeeze %dma_wait3A_284 : memref<1x32x768xf32, #tpu.memory_space<hbm>> -> memref<32x768xf32, #tpu.memory_space<hbm>>
    %dma_wait3A_286 = tpu.memref_slice %arg8[%dma_wait3A_278] : memref<4x!tpu.dma_semaphore, #tpu.memory_space<semaphore_mem>> -> memref<1x!tpu.dma_semaphore, #tpu.memory_space<semaphore_mem>>
    %dma_wait3A_287 = tpu.memref_squeeze %dma_wait3A_286 : memref<1x!tpu.dma_semaphore, #tpu.memory_space<semaphore_mem>> -> memref<!tpu.dma_semaphore, #tpu.memory_space<semaphore_mem>>
    %dma_wait3A_288 = arith.constant 0 : i32
    %dma_wait3A_289 = tpu.memref_slice %arg4[%select_n3A, %add3A_194, %dma_wait3A_288] : memref<4x2048x768xf32, #tpu.memory_space<hbm>> -> memref<1x32x768xf32, #tpu.memory_space<hbm>>
    %dma_wait3A_290 = tpu.memref_squeeze %dma_wait3A_289 : memref<1x32x768xf32, #tpu.memory_space<hbm>> -> memref<32x768xf32, #tpu.memory_space<hbm>>
    %dma_wait3A_291 = arith.constant 0 : i32
    %dma_wait3A_292 = arith.constant 0 : i32
    %dma_wait3A_293 = tpu.memref_slice %arg6[%dma_wait3A_277, %dma_wait3A_291, %dma_wait3A_292] : memref<4x32x768xf32, #tpu.memory_space<vmem>> -> memref<1x32x768xf32, #tpu.memory_space<vmem>>
    %dma_wait3A_294 = tpu.memref_squeeze %dma_wait3A_293 : memref<1x32x768xf32, #tpu.memory_space<vmem>> -> memref<32x768xf32, #tpu.memory_space<vmem>>
    tpu.wait_dma2 semaphore(%dma_wait3A_287 : memref<!tpu.dma_semaphore, #tpu.memory_space<semaphore_mem>>) src(%dma_wait3A_294 : memref<32x768xf32, #tpu.memory_space<vmem>>) dst(%dma_wait3A_290 : memref<32x768xf32, #tpu.memory_space<hbm>>)
    %dma_start3A_295 = arith.constant 2 : i32
    %dma_start3A_296 = arith.constant 2 : i32
    %dma_start3A_297 = arith.constant 0 : i32
    %dma_start3A_298 = arith.constant 0 : i32
    %dma_start3A_299 = tpu.memref_slice %arg6[%dma_start3A_295, %dma_start3A_297, %dma_start3A_298] : memref<4x32x768xf32, #tpu.memory_space<vmem>> -> memref<1x32x768xf32, #tpu.memory_space<vmem>>
    %dma_start3A_300 = tpu.memref_squeeze %dma_start3A_299 : memref<1x32x768xf32, #tpu.memory_space<vmem>> -> memref<32x768xf32, #tpu.memory_space<vmem>>
    %dma_start3A_301 = arith.constant 192 : i32
    %dma_start3A_302 = tpu.memref_slice %arg5[%dma_start3A_301] : memref<256xi32, #tpu.memory_space<vmem>> -> memref<32xi32, #tpu.memory_space<vmem>>
    %dma_start3A_303 = arith.constant 0 : i32
    %dma_start3A_304 = arith.constant 0 : i32
    %dma_start3A_305 = tpu.memref_slice %arg2[%dma_start3A_303, %dma_start3A_304] : memref<50257x768xf32, #tpu.memory_space<hbm>> -> memref<50257x768xf32, #tpu.memory_space<hbm>>
    %dma_start3A_306 = tpu.memref_slice %arg7[%dma_start3A_296] : memref<4x!tpu.dma_semaphore, #tpu.memory_space<semaphore_mem>> -> memref<1x!tpu.dma_semaphore, #tpu.memory_space<semaphore_mem>>
    %dma_start3A_307 = tpu.memref_squeeze %dma_start3A_306 : memref<1x!tpu.dma_semaphore, #tpu.memory_space<semaphore_mem>> -> memref<!tpu.dma_semaphore, #tpu.memory_space<semaphore_mem>>
    tpu.enqueue_indirect_dma source(%dma_start3A_305 : memref<50257x768xf32, #tpu.memory_space<hbm>>) target(%dma_start3A_300 : memref<32x768xf32, #tpu.memory_space<vmem>>) offsets(%dma_start3A_302 : memref<32xi32, #tpu.memory_space<vmem>>) semaphore(%dma_start3A_307 : memref<!tpu.dma_semaphore, #tpu.memory_space<semaphore_mem>>)
    %dma_wait3A_308 = arith.constant 0 : i32
    %dma_wait3A_309 = arith.constant 0 : i32
    %dma_wait3A_310 = arith.constant 0 : i32
    %dma_wait3A_311 = arith.constant 0 : i32
    %dma_wait3A_312 = tpu.memref_slice %arg6[%dma_wait3A_308, %dma_wait3A_310, %dma_wait3A_311] : memref<4x32x768xf32, #tpu.memory_space<vmem>> -> memref<1x32x768xf32, #tpu.memory_space<vmem>>
    %dma_wait3A_313 = tpu.memref_squeeze %dma_wait3A_312 : memref<1x32x768xf32, #tpu.memory_space<vmem>> -> memref<32x768xf32, #tpu.memory_space<vmem>>
    %dma_wait3A_314 = arith.constant 128 : i32
    %dma_wait3A_315 = tpu.memref_slice %arg5[%dma_wait3A_314] : memref<256xi32, #tpu.memory_space<vmem>> -> memref<32xi32, #tpu.memory_space<vmem>>
    %dma_wait3A_316 = arith.constant 0 : i32
    %dma_wait3A_317 = arith.constant 0 : i32
    %dma_wait3A_318 = tpu.memref_slice %arg2[%dma_wait3A_316, %dma_wait3A_317] : memref<50257x768xf32, #tpu.memory_space<hbm>> -> memref<50257x768xf32, #tpu.memory_space<hbm>>
    %dma_wait3A_319 = tpu.memref_slice %arg7[%dma_wait3A_309] : memref<4x!tpu.dma_semaphore, #tpu.memory_space<semaphore_mem>> -> memref<1x!tpu.dma_semaphore, #tpu.memory_space<semaphore_mem>>
    %dma_wait3A_320 = tpu.memref_squeeze %dma_wait3A_319 : memref<1x!tpu.dma_semaphore, #tpu.memory_space<semaphore_mem>> -> memref<!tpu.dma_semaphore, #tpu.memory_space<semaphore_mem>>
    tpu.wait_indirect_dma semaphore(%dma_wait3A_320 : memref<!tpu.dma_semaphore, #tpu.memory_space<semaphore_mem>>) src(%dma_wait3A_318 : memref<50257x768xf32, #tpu.memory_space<hbm>>) dst(%dma_wait3A_313 : memref<32x768xf32, #tpu.memory_space<vmem>>)
    %add3A_321 = arith.constant 128 : i32
    %add3A_322 = arith.addi %mul3A_32, %add3A_321 : i32
    %dma_start3A_323 = arith.constant 0 : i32
    %dma_start3A_324 = arith.constant 0 : i32
    %dma_start3A_325 = arith.constant 0 : i32
    %dma_start3A_326 = arith.constant 0 : i32
    %dma_start3A_327 = tpu.memref_slice %arg6[%dma_start3A_323, %dma_start3A_325, %dma_start3A_326] : memref<4x32x768xf32, #tpu.memory_space<vmem>> -> memref<1x32x768xf32, #tpu.memory_space<vmem>>
    %dma_start3A_328 = tpu.memref_squeeze %dma_start3A_327 : memref<1x32x768xf32, #tpu.memory_space<vmem>> -> memref<32x768xf32, #tpu.memory_space<vmem>>
    %dma_start3A_329 = arith.constant 0 : i32
    %dma_start3A_330 = tpu.memref_slice %arg4[%select_n3A, %add3A_322, %dma_start3A_329] : memref<4x2048x768xf32, #tpu.memory_space<hbm>> -> memref<1x32x768xf32, #tpu.memory_space<hbm>>
    %dma_start3A_331 = tpu.memref_squeeze %dma_start3A_330 : memref<1x32x768xf32, #tpu.memory_space<hbm>> -> memref<32x768xf32, #tpu.memory_space<hbm>>
    %dma_start3A_332 = tpu.memref_slice %arg8[%dma_start3A_324] : memref<4x!tpu.dma_semaphore, #tpu.memory_space<semaphore_mem>> -> memref<1x!tpu.dma_semaphore, #tpu.memory_space<semaphore_mem>>
    %dma_start3A_333 = tpu.memref_squeeze %dma_start3A_332 : memref<1x!tpu.dma_semaphore, #tpu.memory_space<semaphore_mem>> -> memref<!tpu.dma_semaphore, #tpu.memory_space<semaphore_mem>>
    %dma_start3A_334 = arith.constant 0 : i32
    %dma_start3A_335 = tpu.memref_slice %arg4[%select_n3A, %add3A_322, %dma_start3A_334] : memref<4x2048x768xf32, #tpu.memory_space<hbm>> -> memref<1x32x768xf32, #tpu.memory_space<hbm>>
    %dma_start3A_336 = tpu.memref_squeeze %dma_start3A_335 : memref<1x32x768xf32, #tpu.memory_space<hbm>> -> memref<32x768xf32, #tpu.memory_space<hbm>>
    %dma_start3A_337 = arith.constant 0 : i32
    %dma_start3A_338 = arith.constant 0 : i32
    %dma_start3A_339 = tpu.memref_slice %arg6[%dma_start3A_323, %dma_start3A_337, %dma_start3A_338] : memref<4x32x768xf32, #tpu.memory_space<vmem>> -> memref<1x32x768xf32, #tpu.memory_space<vmem>>
    %dma_start3A_340 = tpu.memref_squeeze %dma_start3A_339 : memref<1x32x768xf32, #tpu.memory_space<vmem>> -> memref<32x768xf32, #tpu.memory_space<vmem>>
    tpu.enqueue_dma source(%dma_start3A_340 : memref<32x768xf32, #tpu.memory_space<vmem>>) target(%dma_start3A_336 : memref<32x768xf32, #tpu.memory_space<hbm>>) target_semaphore(%dma_start3A_333 : memref<!tpu.dma_semaphore, #tpu.memory_space<semaphore_mem>>)
    %dma_wait3A_341 = arith.constant 3 : i32
    %dma_wait3A_342 = arith.constant 3 : i32
    %dma_wait3A_343 = arith.constant 0 : i32
    %dma_wait3A_344 = arith.constant 0 : i32
    %dma_wait3A_345 = tpu.memref_slice %arg6[%dma_wait3A_341, %dma_wait3A_343, %dma_wait3A_344] : memref<4x32x768xf32, #tpu.memory_space<vmem>> -> memref<1x32x768xf32, #tpu.memory_space<vmem>>
    %dma_wait3A_346 = tpu.memref_squeeze %dma_wait3A_345 : memref<1x32x768xf32, #tpu.memory_space<vmem>> -> memref<32x768xf32, #tpu.memory_space<vmem>>
    %dma_wait3A_347 = arith.constant 0 : i32
    %dma_wait3A_348 = tpu.memref_slice %arg4[%select_n3A, %add3A_258, %dma_wait3A_347] : memref<4x2048x768xf32, #tpu.memory_space<hbm>> -> memref<1x32x768xf32, #tpu.memory_space<hbm>>
    %dma_wait3A_349 = tpu.memref_squeeze %dma_wait3A_348 : memref<1x32x768xf32, #tpu.memory_space<hbm>> -> memref<32x768xf32, #tpu.memory_space<hbm>>
    %dma_wait3A_350 = tpu.memref_slice %arg8[%dma_wait3A_342] : memref<4x!tpu.dma_semaphore, #tpu.memory_space<semaphore_mem>> -> memref<1x!tpu.dma_semaphore, #tpu.memory_space<semaphore_mem>>
    %dma_wait3A_351 = tpu.memref_squeeze %dma_wait3A_350 : memref<1x!tpu.dma_semaphore, #tpu.memory_space<semaphore_mem>> -> memref<!tpu.dma_semaphore, #tpu.memory_space<semaphore_mem>>
    %dma_wait3A_352 = arith.constant 0 : i32
    %dma_wait3A_353 = tpu.memref_slice %arg4[%select_n3A, %add3A_258, %dma_wait3A_352] : memref<4x2048x768xf32, #tpu.memory_space<hbm>> -> memref<1x32x768xf32, #tpu.memory_space<hbm>>
    %dma_wait3A_354 = tpu.memref_squeeze %dma_wait3A_353 : memref<1x32x768xf32, #tpu.memory_space<hbm>> -> memref<32x768xf32, #tpu.memory_space<hbm>>
    %dma_wait3A_355 = arith.constant 0 : i32
    %dma_wait3A_356 = arith.constant 0 : i32
    %dma_wait3A_357 = tpu.memref_slice %arg6[%dma_wait3A_341, %dma_wait3A_355, %dma_wait3A_356] : memref<4x32x768xf32, #tpu.memory_space<vmem>> -> memref<1x32x768xf32, #tpu.memory_space<vmem>>
    %dma_wait3A_358 = tpu.memref_squeeze %dma_wait3A_357 : memref<1x32x768xf32, #tpu.memory_space<vmem>> -> memref<32x768xf32, #tpu.memory_space<vmem>>
    tpu.wait_dma2 semaphore(%dma_wait3A_351 : memref<!tpu.dma_semaphore, #tpu.memory_space<semaphore_mem>>) src(%dma_wait3A_358 : memref<32x768xf32, #tpu.memory_space<vmem>>) dst(%dma_wait3A_354 : memref<32x768xf32, #tpu.memory_space<hbm>>)
    %dma_start3A_359 = arith.constant 3 : i32
    %dma_start3A_360 = arith.constant 3 : i32
    %dma_start3A_361 = arith.constant 0 : i32
    %dma_start3A_362 = arith.constant 0 : i32
    %dma_start3A_363 = tpu.memref_slice %arg6[%dma_start3A_359, %dma_start3A_361, %dma_start3A_362] : memref<4x32x768xf32, #tpu.memory_space<vmem>> -> memref<1x32x768xf32, #tpu.memory_space<vmem>>
    %dma_start3A_364 = tpu.memref_squeeze %dma_start3A_363 : memref<1x32x768xf32, #tpu.memory_space<vmem>> -> memref<32x768xf32, #tpu.memory_space<vmem>>
    %dma_start3A_365 = arith.constant 224 : i32
    %dma_start3A_366 = tpu.memref_slice %arg5[%dma_start3A_365] : memref<256xi32, #tpu.memory_space<vmem>> -> memref<32xi32, #tpu.memory_space<vmem>>
    %dma_start3A_367 = arith.constant 0 : i32
    %dma_start3A_368 = arith.constant 0 : i32
    %dma_start3A_369 = tpu.memref_slice %arg2[%dma_start3A_367, %dma_start3A_368] : memref<50257x768xf32, #tpu.memory_space<hbm>> -> memref<50257x768xf32, #tpu.memory_space<hbm>>
    %dma_start3A_370 = tpu.memref_slice %arg7[%dma_start3A_360] : memref<4x!tpu.dma_semaphore, #tpu.memory_space<semaphore_mem>> -> memref<1x!tpu.dma_semaphore, #tpu.memory_space<semaphore_mem>>
    %dma_start3A_371 = tpu.memref_squeeze %dma_start3A_370 : memref<1x!tpu.dma_semaphore, #tpu.memory_space<semaphore_mem>> -> memref<!tpu.dma_semaphore, #tpu.memory_space<semaphore_mem>>
    tpu.enqueue_indirect_dma source(%dma_start3A_369 : memref<50257x768xf32, #tpu.memory_space<hbm>>) target(%dma_start3A_364 : memref<32x768xf32, #tpu.memory_space<vmem>>) offsets(%dma_start3A_366 : memref<32xi32, #tpu.memory_space<vmem>>) semaphore(%dma_start3A_371 : memref<!tpu.dma_semaphore, #tpu.memory_space<semaphore_mem>>)
    %dma_wait3A_372 = arith.constant 1 : i32
    %dma_wait3A_373 = arith.constant 1 : i32
    %dma_wait3A_374 = arith.constant 0 : i32
    %dma_wait3A_375 = arith.constant 0 : i32
    %dma_wait3A_376 = tpu.memref_slice %arg6[%dma_wait3A_372, %dma_wait3A_374, %dma_wait3A_375] : memref<4x32x768xf32, #tpu.memory_space<vmem>> -> memref<1x32x768xf32, #tpu.memory_space<vmem>>
    %dma_wait3A_377 = tpu.memref_squeeze %dma_wait3A_376 : memref<1x32x768xf32, #tpu.memory_space<vmem>> -> memref<32x768xf32, #tpu.memory_space<vmem>>
    %dma_wait3A_378 = arith.constant 160 : i32
    %dma_wait3A_379 = tpu.memref_slice %arg5[%dma_wait3A_378] : memref<256xi32, #tpu.memory_space<vmem>> -> memref<32xi32, #tpu.memory_space<vmem>>
    %dma_wait3A_380 = arith.constant 0 : i32
    %dma_wait3A_381 = arith.constant 0 : i32
    %dma_wait3A_382 = tpu.memref_slice %arg2[%dma_wait3A_380, %dma_wait3A_381] : memref<50257x768xf32, #tpu.memory_space<hbm>> -> memref<50257x768xf32, #tpu.memory_space<hbm>>
    %dma_wait3A_383 = tpu.memref_slice %arg7[%dma_wait3A_373] : memref<4x!tpu.dma_semaphore, #tpu.memory_space<semaphore_mem>> -> memref<1x!tpu.dma_semaphore, #tpu.memory_space<semaphore_mem>>
    %dma_wait3A_384 = tpu.memref_squeeze %dma_wait3A_383 : memref<1x!tpu.dma_semaphore, #tpu.memory_space<semaphore_mem>> -> memref<!tpu.dma_semaphore, #tpu.memory_space<semaphore_mem>>
    tpu.wait_indirect_dma semaphore(%dma_wait3A_384 : memref<!tpu.dma_semaphore, #tpu.memory_space<semaphore_mem>>) src(%dma_wait3A_382 : memref<50257x768xf32, #tpu.memory_space<hbm>>) dst(%dma_wait3A_377 : memref<32x768xf32, #tpu.memory_space<vmem>>)
    %add3A_385 = arith.constant 160 : i32
    %add3A_386 = arith.addi %mul3A_32, %add3A_385 : i32
    %dma_start3A_387 = arith.constant 1 : i32
    %dma_start3A_388 = arith.constant 1 : i32
    %dma_start3A_389 = arith.constant 0 : i32
    %dma_start3A_390 = arith.constant 0 : i32
    %dma_start3A_391 = tpu.memref_slice %arg6[%dma_start3A_387, %dma_start3A_389, %dma_start3A_390] : memref<4x32x768xf32, #tpu.memory_space<vmem>> -> memref<1x32x768xf32, #tpu.memory_space<vmem>>
    %dma_start3A_392 = tpu.memref_squeeze %dma_start3A_391 : memref<1x32x768xf32, #tpu.memory_space<vmem>> -> memref<32x768xf32, #tpu.memory_space<vmem>>
    %dma_start3A_393 = arith.constant 0 : i32
    %dma_start3A_394 = tpu.memref_slice %arg4[%select_n3A, %add3A_386, %dma_start3A_393] : memref<4x2048x768xf32, #tpu.memory_space<hbm>> -> memref<1x32x768xf32, #tpu.memory_space<hbm>>
    %dma_start3A_395 = tpu.memref_squeeze %dma_start3A_394 : memref<1x32x768xf32, #tpu.memory_space<hbm>> -> memref<32x768xf32, #tpu.memory_space<hbm>>
    %dma_start3A_396 = tpu.memref_slice %arg8[%dma_start3A_388] : memref<4x!tpu.dma_semaphore, #tpu.memory_space<semaphore_mem>> -> memref<1x!tpu.dma_semaphore, #tpu.memory_space<semaphore_mem>>
    %dma_start3A_397 = tpu.memref_squeeze %dma_start3A_396 : memref<1x!tpu.dma_semaphore, #tpu.memory_space<semaphore_mem>> -> memref<!tpu.dma_semaphore, #tpu.memory_space<semaphore_mem>>
    %dma_start3A_398 = arith.constant 0 : i32
    %dma_start3A_399 = tpu.memref_slice %arg4[%select_n3A, %add3A_386, %dma_start3A_398] : memref<4x2048x768xf32, #tpu.memory_space<hbm>> -> memref<1x32x768xf32, #tpu.memory_space<hbm>>
    %dma_start3A_400 = tpu.memref_squeeze %dma_start3A_399 : memref<1x32x768xf32, #tpu.memory_space<hbm>> -> memref<32x768xf32, #tpu.memory_space<hbm>>
    %dma_start3A_401 = arith.constant 0 : i32
    %dma_start3A_402 = arith.constant 0 : i32
    %dma_start3A_403 = tpu.memref_slice %arg6[%dma_start3A_387, %dma_start3A_401, %dma_start3A_402] : memref<4x32x768xf32, #tpu.memory_space<vmem>> -> memref<1x32x768xf32, #tpu.memory_space<vmem>>
    %dma_start3A_404 = tpu.memref_squeeze %dma_start3A_403 : memref<1x32x768xf32, #tpu.memory_space<vmem>> -> memref<32x768xf32, #tpu.memory_space<vmem>>
    tpu.enqueue_dma source(%dma_start3A_404 : memref<32x768xf32, #tpu.memory_space<vmem>>) target(%dma_start3A_400 : memref<32x768xf32, #tpu.memory_space<hbm>>) target_semaphore(%dma_start3A_397 : memref<!tpu.dma_semaphore, #tpu.memory_space<semaphore_mem>>)
    %dma_wait3A_405 = arith.constant 2 : i32
    %dma_wait3A_406 = arith.constant 2 : i32
    %dma_wait3A_407 = arith.constant 0 : i32
    %dma_wait3A_408 = arith.constant 0 : i32
    %dma_wait3A_409 = tpu.memref_slice %arg6[%dma_wait3A_405, %dma_wait3A_407, %dma_wait3A_408] : memref<4x32x768xf32, #tpu.memory_space<vmem>> -> memref<1x32x768xf32, #tpu.memory_space<vmem>>
    %dma_wait3A_410 = tpu.memref_squeeze %dma_wait3A_409 : memref<1x32x768xf32, #tpu.memory_space<vmem>> -> memref<32x768xf32, #tpu.memory_space<vmem>>
    %dma_wait3A_411 = arith.constant 192 : i32
    %dma_wait3A_412 = tpu.memref_slice %arg5[%dma_wait3A_411] : memref<256xi32, #tpu.memory_space<vmem>> -> memref<32xi32, #tpu.memory_space<vmem>>
    %dma_wait3A_413 = arith.constant 0 : i32
    %dma_wait3A_414 = arith.constant 0 : i32
    %dma_wait3A_415 = tpu.memref_slice %arg2[%dma_wait3A_413, %dma_wait3A_414] : memref<50257x768xf32, #tpu.memory_space<hbm>> -> memref<50257x768xf32, #tpu.memory_space<hbm>>
    %dma_wait3A_416 = tpu.memref_slice %arg7[%dma_wait3A_406] : memref<4x!tpu.dma_semaphore, #tpu.memory_space<semaphore_mem>> -> memref<1x!tpu.dma_semaphore, #tpu.memory_space<semaphore_mem>>
    %dma_wait3A_417 = tpu.memref_squeeze %dma_wait3A_416 : memref<1x!tpu.dma_semaphore, #tpu.memory_space<semaphore_mem>> -> memref<!tpu.dma_semaphore, #tpu.memory_space<semaphore_mem>>
    tpu.wait_indirect_dma semaphore(%dma_wait3A_417 : memref<!tpu.dma_semaphore, #tpu.memory_space<semaphore_mem>>) src(%dma_wait3A_415 : memref<50257x768xf32, #tpu.memory_space<hbm>>) dst(%dma_wait3A_410 : memref<32x768xf32, #tpu.memory_space<vmem>>)
    %add3A_418 = arith.constant 192 : i32
    %add3A_419 = arith.addi %mul3A_32, %add3A_418 : i32
    %dma_start3A_420 = arith.constant 2 : i32
    %dma_start3A_421 = arith.constant 2 : i32
    %dma_start3A_422 = arith.constant 0 : i32
    %dma_start3A_423 = arith.constant 0 : i32
    %dma_start3A_424 = tpu.memref_slice %arg6[%dma_start3A_420, %dma_start3A_422, %dma_start3A_423] : memref<4x32x768xf32, #tpu.memory_space<vmem>> -> memref<1x32x768xf32, #tpu.memory_space<vmem>>
    %dma_start3A_425 = tpu.memref_squeeze %dma_start3A_424 : memref<1x32x768xf32, #tpu.memory_space<vmem>> -> memref<32x768xf32, #tpu.memory_space<vmem>>
    %dma_start3A_426 = arith.constant 0 : i32
    %dma_start3A_427 = tpu.memref_slice %arg4[%select_n3A, %add3A_419, %dma_start3A_426] : memref<4x2048x768xf32, #tpu.memory_space<hbm>> -> memref<1x32x768xf32, #tpu.memory_space<hbm>>
    %dma_start3A_428 = tpu.memref_squeeze %dma_start3A_427 : memref<1x32x768xf32, #tpu.memory_space<hbm>> -> memref<32x768xf32, #tpu.memory_space<hbm>>
    %dma_start3A_429 = tpu.memref_slice %arg8[%dma_start3A_421] : memref<4x!tpu.dma_semaphore, #tpu.memory_space<semaphore_mem>> -> memref<1x!tpu.dma_semaphore, #tpu.memory_space<semaphore_mem>>
    %dma_start3A_430 = tpu.memref_squeeze %dma_start3A_429 : memref<1x!tpu.dma_semaphore, #tpu.memory_space<semaphore_mem>> -> memref<!tpu.dma_semaphore, #tpu.memory_space<semaphore_mem>>
    %dma_start3A_431 = arith.constant 0 : i32
    %dma_start3A_432 = tpu.memref_slice %arg4[%select_n3A, %add3A_419, %dma_start3A_431] : memref<4x2048x768xf32, #tpu.memory_space<hbm>> -> memref<1x32x768xf32, #tpu.memory_space<hbm>>
    %dma_start3A_433 = tpu.memref_squeeze %dma_start3A_432 : memref<1x32x768xf32, #tpu.memory_space<hbm>> -> memref<32x768xf32, #tpu.memory_space<hbm>>
    %dma_start3A_434 = arith.constant 0 : i32
    %dma_start3A_435 = arith.constant 0 : i32
    %dma_start3A_436 = tpu.memref_slice %arg6[%dma_start3A_420, %dma_start3A_434, %dma_start3A_435] : memref<4x32x768xf32, #tpu.memory_space<vmem>> -> memref<1x32x768xf32, #tpu.memory_space<vmem>>
    %dma_start3A_437 = tpu.memref_squeeze %dma_start3A_436 : memref<1x32x768xf32, #tpu.memory_space<vmem>> -> memref<32x768xf32, #tpu.memory_space<vmem>>
    tpu.enqueue_dma source(%dma_start3A_437 : memref<32x768xf32, #tpu.memory_space<vmem>>) target(%dma_start3A_433 : memref<32x768xf32, #tpu.memory_space<hbm>>) target_semaphore(%dma_start3A_430 : memref<!tpu.dma_semaphore, #tpu.memory_space<semaphore_mem>>)
    %dma_wait3A_438 = arith.constant 3 : i32
    %dma_wait3A_439 = arith.constant 3 : i32
    %dma_wait3A_440 = arith.constant 0 : i32
    %dma_wait3A_441 = arith.constant 0 : i32
    %dma_wait3A_442 = tpu.memref_slice %arg6[%dma_wait3A_438, %dma_wait3A_440, %dma_wait3A_441] : memref<4x32x768xf32, #tpu.memory_space<vmem>> -> memref<1x32x768xf32, #tpu.memory_space<vmem>>
    %dma_wait3A_443 = tpu.memref_squeeze %dma_wait3A_442 : memref<1x32x768xf32, #tpu.memory_space<vmem>> -> memref<32x768xf32, #tpu.memory_space<vmem>>
    %dma_wait3A_444 = arith.constant 224 : i32
    %dma_wait3A_445 = tpu.memref_slice %arg5[%dma_wait3A_444] : memref<256xi32, #tpu.memory_space<vmem>> -> memref<32xi32, #tpu.memory_space<vmem>>
    %dma_wait3A_446 = arith.constant 0 : i32
    %dma_wait3A_447 = arith.constant 0 : i32
    %dma_wait3A_448 = tpu.memref_slice %arg2[%dma_wait3A_446, %dma_wait3A_447] : memref<50257x768xf32, #tpu.memory_space<hbm>> -> memref<50257x768xf32, #tpu.memory_space<hbm>>
    %dma_wait3A_449 = tpu.memref_slice %arg7[%dma_wait3A_439] : memref<4x!tpu.dma_semaphore, #tpu.memory_space<semaphore_mem>> -> memref<1x!tpu.dma_semaphore, #tpu.memory_space<semaphore_mem>>
    %dma_wait3A_450 = tpu.memref_squeeze %dma_wait3A_449 : memref<1x!tpu.dma_semaphore, #tpu.memory_space<semaphore_mem>> -> memref<!tpu.dma_semaphore, #tpu.memory_space<semaphore_mem>>
    tpu.wait_indirect_dma semaphore(%dma_wait3A_450 : memref<!tpu.dma_semaphore, #tpu.memory_space<semaphore_mem>>) src(%dma_wait3A_448 : memref<50257x768xf32, #tpu.memory_space<hbm>>) dst(%dma_wait3A_443 : memref<32x768xf32, #tpu.memory_space<vmem>>)
    %add3A_451 = arith.constant 224 : i32
    %add3A_452 = arith.addi %mul3A_32, %add3A_451 : i32
    %dma_start3A_453 = arith.constant 3 : i32
    %dma_start3A_454 = arith.constant 3 : i32
    %dma_start3A_455 = arith.constant 0 : i32
    %dma_start3A_456 = arith.constant 0 : i32
    %dma_start3A_457 = tpu.memref_slice %arg6[%dma_start3A_453, %dma_start3A_455, %dma_start3A_456] : memref<4x32x768xf32, #tpu.memory_space<vmem>> -> memref<1x32x768xf32, #tpu.memory_space<vmem>>
    %dma_start3A_458 = tpu.memref_squeeze %dma_start3A_457 : memref<1x32x768xf32, #tpu.memory_space<vmem>> -> memref<32x768xf32, #tpu.memory_space<vmem>>
    %dma_start3A_459 = arith.constant 0 : i32
    %dma_start3A_460 = tpu.memref_slice %arg4[%select_n3A, %add3A_452, %dma_start3A_459] : memref<4x2048x768xf32, #tpu.memory_space<hbm>> -> memref<1x32x768xf32, #tpu.memory_space<hbm>>
    %dma_start3A_461 = tpu.memref_squeeze %dma_start3A_460 : memref<1x32x768xf32, #tpu.memory_space<hbm>> -> memref<32x768xf32, #tpu.memory_space<hbm>>
    %dma_start3A_462 = tpu.memref_slice %arg8[%dma_start3A_454] : memref<4x!tpu.dma_semaphore, #tpu.memory_space<semaphore_mem>> -> memref<1x!tpu.dma_semaphore, #tpu.memory_space<semaphore_mem>>
    %dma_start3A_463 = tpu.memref_squeeze %dma_start3A_462 : memref<1x!tpu.dma_semaphore, #tpu.memory_space<semaphore_mem>> -> memref<!tpu.dma_semaphore, #tpu.memory_space<semaphore_mem>>
    %dma_start3A_464 = arith.constant 0 : i32
    %dma_start3A_465 = tpu.memref_slice %arg4[%select_n3A, %add3A_452, %dma_start3A_464] : memref<4x2048x768xf32, #tpu.memory_space<hbm>> -> memref<1x32x768xf32, #tpu.memory_space<hbm>>
    %dma_start3A_466 = tpu.memref_squeeze %dma_start3A_465 : memref<1x32x768xf32, #tpu.memory_space<hbm>> -> memref<32x768xf32, #tpu.memory_space<hbm>>
    %dma_start3A_467 = arith.constant 0 : i32
    %dma_start3A_468 = arith.constant 0 : i32
    %dma_start3A_469 = tpu.memref_slice %arg6[%dma_start3A_453, %dma_start3A_467, %dma_start3A_468] : memref<4x32x768xf32, #tpu.memory_space<vmem>> -> memref<1x32x768xf32, #tpu.memory_space<vmem>>
    %dma_start3A_470 = tpu.memref_squeeze %dma_start3A_469 : memref<1x32x768xf32, #tpu.memory_space<vmem>> -> memref<32x768xf32, #tpu.memory_space<vmem>>
    tpu.enqueue_dma source(%dma_start3A_470 : memref<32x768xf32, #tpu.memory_space<vmem>>) target(%dma_start3A_466 : memref<32x768xf32, #tpu.memory_space<hbm>>) target_semaphore(%dma_start3A_463 : memref<!tpu.dma_semaphore, #tpu.memory_space<semaphore_mem>>)
    %dma_wait3A_471 = arith.constant 0 : i32
    %dma_wait3A_472 = arith.constant 0 : i32
    %dma_wait3A_473 = arith.constant 0 : i32
    %dma_wait3A_474 = arith.constant 0 : i32
    %dma_wait3A_475 = tpu.memref_slice %arg6[%dma_wait3A_471, %dma_wait3A_473, %dma_wait3A_474] : memref<4x32x768xf32, #tpu.memory_space<vmem>> -> memref<1x32x768xf32, #tpu.memory_space<vmem>>
    %dma_wait3A_476 = tpu.memref_squeeze %dma_wait3A_475 : memref<1x32x768xf32, #tpu.memory_space<vmem>> -> memref<32x768xf32, #tpu.memory_space<vmem>>
    %dma_wait3A_477 = arith.constant 0 : i32
    %dma_wait3A_478 = tpu.memref_slice %arg4[%select_n3A, %add3A_322, %dma_wait3A_477] : memref<4x2048x768xf32, #tpu.memory_space<hbm>> -> memref<1x32x768xf32, #tpu.memory_space<hbm>>
    %dma_wait3A_479 = tpu.memref_squeeze %dma_wait3A_478 : memref<1x32x768xf32, #tpu.memory_space<hbm>> -> memref<32x768xf32, #tpu.memory_space<hbm>>
    %dma_wait3A_480 = tpu.memref_slice %arg8[%dma_wait3A_472] : memref<4x!tpu.dma_semaphore, #tpu.memory_space<semaphore_mem>> -> memref<1x!tpu.dma_semaphore, #tpu.memory_space<semaphore_mem>>
    %dma_wait3A_481 = tpu.memref_squeeze %dma_wait3A_480 : memref<1x!tpu.dma_semaphore, #tpu.memory_space<semaphore_mem>> -> memref<!tpu.dma_semaphore, #tpu.memory_space<semaphore_mem>>
    %dma_wait3A_482 = arith.constant 0 : i32
    %dma_wait3A_483 = tpu.memref_slice %arg4[%select_n3A, %add3A_322, %dma_wait3A_482] : memref<4x2048x768xf32, #tpu.memory_space<hbm>> -> memref<1x32x768xf32, #tpu.memory_space<hbm>>
    %dma_wait3A_484 = tpu.memref_squeeze %dma_wait3A_483 : memref<1x32x768xf32, #tpu.memory_space<hbm>> -> memref<32x768xf32, #tpu.memory_space<hbm>>
    %dma_wait3A_485 = arith.constant 0 : i32
    %dma_wait3A_486 = arith.constant 0 : i32
    %dma_wait3A_487 = tpu.memref_slice %arg6[%dma_wait3A_471, %dma_wait3A_485, %dma_wait3A_486] : memref<4x32x768xf32, #tpu.memory_space<vmem>> -> memref<1x32x768xf32, #tpu.memory_space<vmem>>
    %dma_wait3A_488 = tpu.memref_squeeze %dma_wait3A_487 : memref<1x32x768xf32, #tpu.memory_space<vmem>> -> memref<32x768xf32, #tpu.memory_space<vmem>>
    tpu.wait_dma2 semaphore(%dma_wait3A_481 : memref<!tpu.dma_semaphore, #tpu.memory_space<semaphore_mem>>) src(%dma_wait3A_488 : memref<32x768xf32, #tpu.memory_space<vmem>>) dst(%dma_wait3A_484 : memref<32x768xf32, #tpu.memory_space<hbm>>)
    %dma_wait3A_489 = arith.constant 1 : i32
    %dma_wait3A_490 = arith.constant 1 : i32
    %dma_wait3A_491 = arith.constant 0 : i32
    %dma_wait3A_492 = arith.constant 0 : i32
    %dma_wait3A_493 = tpu.memref_slice %arg6[%dma_wait3A_489, %dma_wait3A_491, %dma_wait3A_492] : memref<4x32x768xf32, #tpu.memory_space<vmem>> -> memref<1x32x768xf32, #tpu.memory_space<vmem>>
    %dma_wait3A_494 = tpu.memref_squeeze %dma_wait3A_493 : memref<1x32x768xf32, #tpu.memory_space<vmem>> -> memref<32x768xf32, #tpu.memory_space<vmem>>
    %dma_wait3A_495 = arith.constant 0 : i32
    %dma_wait3A_496 = tpu.memref_slice %arg4[%select_n3A, %add3A_386, %dma_wait3A_495] : memref<4x2048x768xf32, #tpu.memory_space<hbm>> -> memref<1x32x768xf32, #tpu.memory_space<hbm>>
    %dma_wait3A_497 = tpu.memref_squeeze %dma_wait3A_496 : memref<1x32x768xf32, #tpu.memory_space<hbm>> -> memref<32x768xf32, #tpu.memory_space<hbm>>
    %dma_wait3A_498 = tpu.memref_slice %arg8[%dma_wait3A_490] : memref<4x!tpu.dma_semaphore, #tpu.memory_space<semaphore_mem>> -> memref<1x!tpu.dma_semaphore, #tpu.memory_space<semaphore_mem>>
    %dma_wait3A_499 = tpu.memref_squeeze %dma_wait3A_498 : memref<1x!tpu.dma_semaphore, #tpu.memory_space<semaphore_mem>> -> memref<!tpu.dma_semaphore, #tpu.memory_space<semaphore_mem>>
    %dma_wait3A_500 = arith.constant 0 : i32
    %dma_wait3A_501 = tpu.memref_slice %arg4[%select_n3A, %add3A_386, %dma_wait3A_500] : memref<4x2048x768xf32, #tpu.memory_space<hbm>> -> memref<1x32x768xf32, #tpu.memory_space<hbm>>
    %dma_wait3A_502 = tpu.memref_squeeze %dma_wait3A_501 : memref<1x32x768xf32, #tpu.memory_space<hbm>> -> memref<32x768xf32, #tpu.memory_space<hbm>>
    %dma_wait3A_503 = arith.constant 0 : i32
    %dma_wait3A_504 = arith.constant 0 : i32
    %dma_wait3A_505 = tpu.memref_slice %arg6[%dma_wait3A_489, %dma_wait3A_503, %dma_wait3A_504] : memref<4x32x768xf32, #tpu.memory_space<vmem>> -> memref<1x32x768xf32, #tpu.memory_space<vmem>>
    %dma_wait3A_506 = tpu.memref_squeeze %dma_wait3A_505 : memref<1x32x768xf32, #tpu.memory_space<vmem>> -> memref<32x768xf32, #tpu.memory_space<vmem>>
    tpu.wait_dma2 semaphore(%dma_wait3A_499 : memref<!tpu.dma_semaphore, #tpu.memory_space<semaphore_mem>>) src(%dma_wait3A_506 : memref<32x768xf32, #tpu.memory_space<vmem>>) dst(%dma_wait3A_502 : memref<32x768xf32, #tpu.memory_space<hbm>>)
    %dma_wait3A_507 = arith.constant 2 : i32
    %dma_wait3A_508 = arith.constant 2 : i32
    %dma_wait3A_509 = arith.constant 0 : i32
    %dma_wait3A_510 = arith.constant 0 : i32
    %dma_wait3A_511 = tpu.memref_slice %arg6[%dma_wait3A_507, %dma_wait3A_509, %dma_wait3A_510] : memref<4x32x768xf32, #tpu.memory_space<vmem>> -> memref<1x32x768xf32, #tpu.memory_space<vmem>>
    %dma_wait3A_512 = tpu.memref_squeeze %dma_wait3A_511 : memref<1x32x768xf32, #tpu.memory_space<vmem>> -> memref<32x768xf32, #tpu.memory_space<vmem>>
    %dma_wait3A_513 = arith.constant 0 : i32
    %dma_wait3A_514 = tpu.memref_slice %arg4[%select_n3A, %add3A_419, %dma_wait3A_513] : memref<4x2048x768xf32, #tpu.memory_space<hbm>> -> memref<1x32x768xf32, #tpu.memory_space<hbm>>
    %dma_wait3A_515 = tpu.memref_squeeze %dma_wait3A_514 : memref<1x32x768xf32, #tpu.memory_space<hbm>> -> memref<32x768xf32, #tpu.memory_space<hbm>>
    %dma_wait3A_516 = tpu.memref_slice %arg8[%dma_wait3A_508] : memref<4x!tpu.dma_semaphore, #tpu.memory_space<semaphore_mem>> -> memref<1x!tpu.dma_semaphore, #tpu.memory_space<semaphore_mem>>
    %dma_wait3A_517 = tpu.memref_squeeze %dma_wait3A_516 : memref<1x!tpu.dma_semaphore, #tpu.memory_space<semaphore_mem>> -> memref<!tpu.dma_semaphore, #tpu.memory_space<semaphore_mem>>
    %dma_wait3A_518 = arith.constant 0 : i32
    %dma_wait3A_519 = tpu.memref_slice %arg4[%select_n3A, %add3A_419, %dma_wait3A_518] : memref<4x2048x768xf32, #tpu.memory_space<hbm>> -> memref<1x32x768xf32, #tpu.memory_space<hbm>>
    %dma_wait3A_520 = tpu.memref_squeeze %dma_wait3A_519 : memref<1x32x768xf32, #tpu.memory_space<hbm>> -> memref<32x768xf32, #tpu.memory_space<hbm>>
    %dma_wait3A_521 = arith.constant 0 : i32
    %dma_wait3A_522 = arith.constant 0 : i32
    %dma_wait3A_523 = tpu.memref_slice %arg6[%dma_wait3A_507, %dma_wait3A_521, %dma_wait3A_522] : memref<4x32x768xf32, #tpu.memory_space<vmem>> -> memref<1x32x768xf32, #tpu.memory_space<vmem>>
    %dma_wait3A_524 = tpu.memref_squeeze %dma_wait3A_523 : memref<1x32x768xf32, #tpu.memory_space<vmem>> -> memref<32x768xf32, #tpu.memory_space<vmem>>
    tpu.wait_dma2 semaphore(%dma_wait3A_517 : memref<!tpu.dma_semaphore, #tpu.memory_space<semaphore_mem>>) src(%dma_wait3A_524 : memref<32x768xf32, #tpu.memory_space<vmem>>) dst(%dma_wait3A_520 : memref<32x768xf32, #tpu.memory_space<hbm>>)
    %dma_wait3A_525 = arith.constant 3 : i32
    %dma_wait3A_526 = arith.constant 3 : i32
    %dma_wait3A_527 = arith.constant 0 : i32
    %dma_wait3A_528 = arith.constant 0 : i32
    %dma_wait3A_529 = tpu.memref_slice %arg6[%dma_wait3A_525, %dma_wait3A_527, %dma_wait3A_528] : memref<4x32x768xf32, #tpu.memory_space<vmem>> -> memref<1x32x768xf32, #tpu.memory_space<vmem>>
    %dma_wait3A_530 = tpu.memref_squeeze %dma_wait3A_529 : memref<1x32x768xf32, #tpu.memory_space<vmem>> -> memref<32x768xf32, #tpu.memory_space<vmem>>
    %dma_wait3A_531 = arith.constant 0 : i32
    %dma_wait3A_532 = tpu.memref_slice %arg4[%select_n3A, %add3A_452, %dma_wait3A_531] : memref<4x2048x768xf32, #tpu.memory_space<hbm>> -> memref<1x32x768xf32, #tpu.memory_space<hbm>>
    %dma_wait3A_533 = tpu.memref_squeeze %dma_wait3A_532 : memref<1x32x768xf32, #tpu.memory_space<hbm>> -> memref<32x768xf32, #tpu.memory_space<hbm>>
    %dma_wait3A_534 = tpu.memref_slice %arg8[%dma_wait3A_526] : memref<4x!tpu.dma_semaphore, #tpu.memory_space<semaphore_mem>> -> memref<1x!tpu.dma_semaphore, #tpu.memory_space<semaphore_mem>>
    %dma_wait3A_535 = tpu.memref_squeeze %dma_wait3A_534 : memref<1x!tpu.dma_semaphore, #tpu.memory_space<semaphore_mem>> -> memref<!tpu.dma_semaphore, #tpu.memory_space<semaphore_mem>>
    %dma_wait3A_536 = arith.constant 0 : i32
    %dma_wait3A_537 = tpu.memref_slice %arg4[%select_n3A, %add3A_452, %dma_wait3A_536] : memref<4x2048x768xf32, #tpu.memory_space<hbm>> -> memref<1x32x768xf32, #tpu.memory_space<hbm>>
    %dma_wait3A_538 = tpu.memref_squeeze %dma_wait3A_537 : memref<1x32x768xf32, #tpu.memory_space<hbm>> -> memref<32x768xf32, #tpu.memory_space<hbm>>
    %dma_wait3A_539 = arith.constant 0 : i32
    %dma_wait3A_540 = arith.constant 0 : i32
    %dma_wait3A_541 = tpu.memref_slice %arg6[%dma_wait3A_525, %dma_wait3A_539, %dma_wait3A_540] : memref<4x32x768xf32, #tpu.memory_space<vmem>> -> memref<1x32x768xf32, #tpu.memory_space<vmem>>
    %dma_wait3A_542 = tpu.memref_squeeze %dma_wait3A_541 : memref<1x32x768xf32, #tpu.memory_space<vmem>> -> memref<32x768xf32, #tpu.memory_space<vmem>>
    tpu.wait_dma2 semaphore(%dma_wait3A_535 : memref<!tpu.dma_semaphore, #tpu.memory_space<semaphore_mem>>) src(%dma_wait3A_542 : memref<32x768xf32, #tpu.memory_space<vmem>>) dst(%dma_wait3A_538 : memref<32x768xf32, #tpu.memory_space<hbm>>)
    return
  }
}

</mosaic_0001>

<sc_bundles>
// kernel: _embed.3.cloned.1.call-start
scs
__scs_entry_jumppad:
0x0: {  	(pc) =	sbr.rel $0x88, $3  }
0x1: {  	(tag) =	ssettag $0x0;
	lr =	simm.s32 $0x1  }
0x2: {  	[smem:$0x3F9F] =	sst lr;
	_ =	strace $0xD0000000  }
0x3: {  	_ = 	snop  }
0x4: {  	_ = 	snop  }
0x5: {  	_ = 	snop  }
0x6: {  	_ = 	snop  }
0x7: {  	_ = 	snop  }
__scs_overlays_trampoline_lowered:
0x8: {  	[smem:$0x3FAE] =	sst s0  }
0x9: {  	[smem:$0x3FAF] =	sst s1  }
0xa: {  	[smem:$0x3FB0] =	sst s2  }
0xb: {  	[smem:$0x3FB1] =	sst s3  }
0xc: {  	[smem:$0x3FB2] =	sst s4  }
0xd: {  	[smem:$0x3FB3] =	sst s5  }
0xe: {  	[smem:$0x3FB4] =	sst s6  }
0xf: {  	[smem:$0x3FB5] =	sst s7  }
0x10: {  	[smem:$0x3FB6] =	sst s8  }
0x11: {  	[smem:$0x3FB7] =	sst s9;
	s0 =	simm.s32 @!p0 $0x0  }
0x12: {  	s1 =	sld [smem:$0x3F9D];
	s0 =	simm.s32 @p0 $0x1  }
0x13: {  	[smem:$0x3FB8] =	sst s0;
	s0 =	simm.s32 @!p1 $0x0  }
0x14: {  	s2 =	sld [smem:$0x3F9C];
	s0 =	simm.s32 @p1 $0x1  }
0x15: {  	[smem:$0x3FB9] =	sst s0;
	s0 =	simm.s32 @!p2 $0x0  }
0x16: {  	s3 =	sld [smem:$0x3FDB];
	s0 =	simm.s32 @p2 $0x1  }
0x17: {  	s4 =	simm.s32 $0x1BF5;
	[smem:$0x3FBB] =	sst s0  }
0x18: {  	s0 =	sld [smem:$0x3F9E];
	_ =	swait.ge [sflag:s4], $0x0  }
0x19: {  	s7 =	sld [smem:$0x3F9F]  }
0x1a: {  	s8 =	sadd.s32 $0xFFFFE003, lr  }
0x1b: {  	s9 =	sadd.s32 $0xFFFFFEF7, lr;
	s5 =	simm.s32 $0xFFFFFFFF;
	p2 =	slt.u32 s8, $0xFFFFF086  }
0x1c: {  	p1 =	slt.u32 s9, $0xF7A;
	s5 =	simm.s32 @!p2 $0x0  }
0x1d: {  	s5 =	simm.s32 @p1 $0x1;
	p0 =	seq.s32 s7, s2  }
0x1e: {  	s7 =	smul.u32 @!p0 $0xF7A, s2;
	p2 =	seq.s32 @!p0 s5, $0x0  }
0x1f: {  	s9 =	smul.u32 $0xF7A, s1;
	s8 =	simm.s32 @!p0 $0x1BF5;
	p2 =	por !p2, p0  }
0x20: {  	[sflag:s8] =	ssyncset.s32 @!p0 $0xFFFFF086;
	s6 =	sadd.s32 @!p0 s3, s7;
	s7 =	simm.s32 @!p0 $0x108  }
0x21: {  	s3 =	sadd.s32 s3, s9;
	s6 =	sadd.s32 @!p0 $0x88, s6;
	s7 =	simm.s32 @p2 $0x1082  }
0x22: {  	[simem:s7], [sflag:s8] =	dma.local @!p0 [hbm:s6], $0xF7A  }
0x23: {  	s9 =	sor.u32 $0xD0000000, s2;
	s6 =	simm.s32 $0x108;
	_ =	swait.ge @!p0 [sflag:s8], $0x0  }
0x24: {  	s3 =	sadd.s32 $0x88, s3;
	s6 =	simm.s32 @!p1 $0x1082;
	[sflag:s4] =	ssyncset.s32 $0xFFFFF086  }
0x25: {  	[simem:s6], [sflag:s4] =	dma.local [hbm:s3], $0xF7A  }
0x26: {  	[smem:$0x3F9F] =	sst s1;
	(tag) =	ssettag s2;
	_ =	strace s9  }
0x27: {  	s1 =	sld [smem:$0x3FAF]  }
0x28: {  	s2 =	sld [smem:$0x3FB0]  }
0x29: {  	s4 =	sld [smem:$0x3FB2]  }
0x2a: {  	p0 =	seq.s32 s5, $0x0;
	s5 =	sld [smem:$0x3FB3]  }
0x2b: {  	s6 =	sld [smem:$0x3FB4]  }
0x2c: {  	s7 =	sld [smem:$0x3FB5]  }
0x2d: {  	s3 =	simm.s32 $0x108;
	s8 =	sld [smem:$0x3FB6]  }
0x2e: {  	s3 =	simm.s32 @!p0 $0x1082;
	s9 =	sld [smem:$0x3FB7]  }
0x2f: {  	lr =	sadd.s32 s0, s3;
	s0 =	sld [smem:$0x3FAE]  }
0x30: {  	s3 =	sld [smem:$0x3FB1]  }
0x31: {  	[smem:$0x3FBA] =	sst s10  }
0x32: {  	s10 =	sld [smem:$0x3FB8];
	_ =	sdelay $0x3  }
0x33: {  	p0 =	seq.s32 s10, $0x1;
	s10 =	sld [smem:$0x3FBA];
	_ =	sdelay $0x3  }
0x34: {  	[smem:$0x3FBA] =	sst s10  }
0x35: {  	s10 =	sld [smem:$0x3FB9];
	_ =	sdelay $0x3  }
0x36: {  	p1 =	seq.s32 s10, $0x1;
	s10 =	sld [smem:$0x3FBA];
	_ =	sdelay $0x3  }
0x37: {  	[smem:$0x3FBA] =	sst s10  }
0x38: {  	s10 =	sld [smem:$0x3FBB]  }
0x39: {  	_ = 	snop;
	(pc) =	sbr.ind lr, $3  }
0x3a: {  	_ = 	snop  }
0x3b: {  	_ = 	snop  }
0x3c: {  	p2 =	seq.s32 s10, $0x1;
	s10 =	sld [smem:$0x3FBA]  }
0x3d: {  	_ =	shalt  }
0x3e: {  	_ =	shalt  }
0x3f: {  	_ =	shalt  }
0x40: {  	_ =	shalt  }
0x41: {  	_ =	shalt  }
0x42: {  	_ =	shalt  }
0x43: {  	_ =	shalt  }
0x44: {  	_ =	shalt  }
0x45: {  	_ =	shalt  }
0x46: {  	_ =	shalt  }
0x47: {  	_ =	shalt  }
0x48: {  	_ =	shalt  }
0x49: {  	_ =	shalt  }
0x4a: {  	_ =	shalt  }
0x4b: {  	_ =	shalt  }
0x4c: {  	_ =	shalt  }
0x4d: {  	_ =	shalt  }
0x4e: {  	_ =	shalt  }
0x4f: {  	_ =	shalt  }
0x50: {  	_ =	shalt  }
0x51: {  	_ =	shalt  }
0x52: {  	_ =	shalt  }
0x53: {  	_ =	shalt  }
0x54: {  	_ =	shalt  }
0x55: {  	_ =	shalt  }
0x56: {  	_ =	shalt  }
0x57: {  	_ =	shalt  }
0x58: {  	_ =	shalt  }
0x59: {  	_ =	shalt  }
0x5a: {  	_ =	shalt  }
0x5b: {  	_ =	shalt  }
0x5c: {  	_ =	shalt  }
0x5d: {  	_ =	shalt  }
0x5e: {  	_ =	shalt  }
0x5f: {  	_ =	shalt  }
0x60: {  	_ =	shalt  }
0x61: {  	_ =	shalt  }
0x62: {  	_ =	shalt  }
0x63: {  	_ =	shalt  }
0x64: {  	_ =	shalt  }
0x65: {  	_ =	shalt  }
0x66: {  	_ =	shalt  }
0x67: {  	_ =	shalt  }
0x68: {  	_ =	shalt  }
0x69: {  	_ =	shalt  }
0x6a: {  	_ =	shalt  }
0x6b: {  	_ =	shalt  }
0x6c: {  	_ =	shalt  }
0x6d: {  	_ =	shalt  }
0x6e: {  	_ =	shalt  }
0x6f: {  	_ =	shalt  }
0x70: {  	_ =	shalt  }
0x71: {  	_ =	shalt  }
0x72: {  	_ =	shalt  }
0x73: {  	_ =	shalt  }
0x74: {  	_ =	shalt  }
0x75: {  	_ =	shalt  }
0x76: {  	_ =	shalt  }
0x77: {  	_ =	shalt  }
0x78: {  	_ =	shalt  }
0x79: {  	_ =	shalt  }
0x7a: {  	_ =	shalt  }
0x7b: {  	_ =	shalt  }
0x7c: {  	_ =	shalt  }
0x7d: {  	_ =	shalt  }
0x7e: {  	_ =	shalt  }
0x7f: {  	_ =	shalt  }
0x80: {  	_ =	shalt  }
0x81: {  	_ =	shalt  }
0x82: {  	_ =	shalt  }
0x83: {  	_ =	shalt  }
0x84: {  	_ =	shalt  }
0x85: {  	_ =	shalt  }
0x86: {  	_ =	shalt  }
0x87: {  	_ =	shalt  }
.Lfunc_end0:
.L_simem_size_0:
called_computation_lowered:
.L_overlay_start_0:
0x88: {  	s2 =	sld [smem:$0x3FD9]  }
0x89: {  	s3 =	sld [smem:$0x3FFE];
	_ =	sdelay $0x1  }
0x8a: {  	s1 =	srdreg.scid  }
0x8b: {  	s0 =	sand.u32 $0x1, s1  }
0x8c: {  	s18 =	sshll.u32 s0, $0xA;
	s2 =	sadd.s32 s3, s2  }
0x8d: {  	s2 =	sadd.s32 s2, s18  }
0x8e: {  	[smem:$0x3FC6] =	sst s2  }
0x8f: {  	_ = 	snop  }
0x90: {  	s2 =	sld [smem:$0x3FC9]  }
0x91: {  	s19 =	sld [smem:$0x3FC8]  }
0x92: {  	s4 =	sld [smem:$0x3FD0];
	(tm) =	ssettm $0x1  }
0x93: {  	s5 =	sld [smem:$0x3FFB];
	_ =	sdelay $0x3  }
0x94: {  	_ =	strace s5  }
0x95: {  	s5 =	sld [smem:$0x3FFC];
	_ =	sdelay $0x3  }
0x96: {  	_ =	strace s5  }
0x97: {  	s5 =	sld [smem:$0x3FFD];
	_ =	sdelay $0x3  }
0x98: {  	_ =	strace s5  }
0x99: {  	_ =	strace $0x8FFFFFFF  }
0x9a: {  	s20 =	sld [smem:$0x3FDB];
	_ =	sdelay $0x1  }
0x9b: {  	s6 =	simm.s32 $_scs_section_size  }
0x9c: {  	s7 =	simm.s32 $_size__tile_overlayer_lowered;
	s8 =	simm.s32 $_tile_overlayer_lowered  }
0x9d: {  	s23 =	simm.s32 $0x1BFF;
	s22 =	sshll.u32 s8, $0x1;
	s5 =	sadd.s32 s6, s20  }
0x9e: {  	s9 =	simm.s32 $0x0;
	s21 =	sshll.u32 s7, $0x1;
	s7 =	sadd.s32 s22, s5  }
0x9f: {  	[timem:s9], [sflag:s23] =	dma.local [hbm:s7], s21  }
0xa0: {  	_ =	swait.ge [sflag:s23], s21  }
0xa1: {  	s6 =	ssub.s32 $0x0, s21;
	[sflag:s23] =	ssyncset.done $0x0  }
0xa2: {  	[sflag:s23] =	ssyncadd.s32 s6;
	_ =	sdelay $0x1  }
0xa3: {  	s24 =	simm.s32 $0x1B8B  }
0xa4: {  	_ =	swait.ge [sflag:s24], $0x1  }
0xa5: {  	[sflag:s24] =	ssyncset.done $0x0  }
0xa6: {  	s25 =	simm.s32 $0x1B8E;
	[sflag:s24] =	ssyncadd.s32 $0xFFFFFFFF  }
0xa7: {  	s26 =	simm.s32 $execute0_lowered;
	[smem:$0x3FD2] =	sst s25  }
0xa8: {  	s6 =	sshll.u32 s26, $0x1;
	_ =	strace $0x80000046;
	[dreg:$0x1] =	wrdreg $0xFFFFFFFF  }
0xa9: {  	s28 =	simm.s32 $_size_execute0_lowered;
	s5 =	sadd.s32 s5, s6;
	[dreg:$0x0] =	wrdreg $0x0  }
0xaa: {  	s6 =	sshll.u32 s28, $0x1;
	[dreg:$0x2] =	wrdreg s5  }
0xab: {  	[dreg:$0x3] =	wrdreg s6  }
0xac: {  	[dreg:$0x4] =	wrdreg $0xC0  }
0xad: {  	_ =	task [dreg:s9], $0x5FFFF  }
0xae: {  	[dreg:$0x1] =	wrdreg $0xFFFFFFFF  }
0xaf: {  	[dreg:$0x0] =	wrdreg $0x60  }
0xb0: {  	[dreg:$0x2] =	wrdreg s19  }
0xb1: {  	[dreg:$0x3] =	wrdreg s2  }
0xb2: {  	[dreg:$0x4] =	wrdreg s4  }
0xb3: {  	[dreg:$0x5] =	wrdreg $0x9  }
0xb4: {  	_ =	task.clear_ibuf [dreg:s9], $0x6FFFF;
	_ =	strace $0x90000046  }
0xb5: {  	s29 =	simm.s32 $0x9;
	_ =	strace $0x80000048  }
0xb6: {  	_ =	swait.ge [sflag:s29], $0x1  }
0xb7: {  	[sflag:s29] =	ssyncadd.s32 $0xFFFFFFFF  }
0xb8: {  	_ =	strace $0x90000048  }
0xb9: {  	_ =	sfence  }
0xba: {  	s30 =	sld [smem:$0x0];
	_ =	sdelay $0x2  }
0xbb: {  	s31 =	sshll.u32 s1, $0xD;
	s1 =	sshrl.u32 s1, $0x2  }
0xbc: {  	s3 =	sand.u32 $0x4000, s31;
	s1 =	sadd.s32 s1, s30  }
0xbd: {  	s0 =	sor.u32 s3, s0;
	s1 =	sshll.u32 s1, $0x11  }
0xbe: {  	s0 =	sor.u32 s1, s0  }
0xbf: {  	s0 =	sadd.s32 $0x8F2B, s0  }
0xc0: {  	[sflag:s0] =	ssyncadd.remote.s32 $0x1  }
0xc1: {  	_ =	sfence.sel $0xFFFF  }
0xc2: {  	[dreg:$0x0] =	wrdreg $0xFFFFFFFF;
	(pc) =	sbr.abs _section_cstart, $3  }
0xc3: {  	[dreg:$0x1] =	wrdreg $0xFFFFFFFF  }
0xc4: {  	_ =	task.clear_ibuf [dreg:s9], $0x2FFFF;
	_ =	strace $0x9FFFFFFF  }
0xc5: {  	(tm) =	ssettm $0x7FFFFFFF  }
tec
execute0_lowered:
.L_overlay_start_1:
0x0: {  	(tag) =	ssettag $0x1  }
0x1: {  	s3 =	stileid.u32;
	s1 =	rddreg [dreg:$0x0]  }
0x2: {  	s0 =	srdreg.scid;
	s5 =	rddreg [dreg:$0x1]  }
0x3: {  	s7 =	rddreg [dreg:$0x2];
	s25 =	simm.s32 $0x80;
	s26 =	simm.s32 $0x200  }
0x4: {  	s28 =	simm.s32 $0x1900;
	s29 =	simm.s32 $0x2100;
	s30 =	simm.s32 $0x2900  }
0x5: {  	s31 =	simm.s32 $0x3100;
	s14 =	simm.s32 $0x6100;
	s2 =	sshll.u32 s3, $0x1  }
0x6: {  	s0 =	sand.u32 $0x1, s0;
	s4 =	sshrl.u32 s3, $0x2;
	s2 =	sand.u32 $0x6, s2  }
0x7: {  	s3 =	simm.s32 $0x0;
	s6 =	smul.u32 $0x180000, s4;
	s2 =	sor.u32 s0, s2  }
0x8: {  	[smem:$0x7FF] =	sst s3;
	s4 =	sshll.u32 s4, $0x4;
	s8 =	smul.u32 $0x30000, s2  }
0x9: {  	s4 =	sadd.s32 s5, s4;
	_ =	strace $0x80000047;
	s0 =	ssub.s32 $0x2, s0  }
0xa: {  	[dreg:$0xc] =	wrdreg s25;
	s2 =	sshll.u32 s2, $0x7;
	s6 =	sadd.s32 s6, s8  }
0xb: {  	[dreg:$0xd] =	wrdreg s26;
	s2 =	sadd.s32 s2, s4;
	s15 =	sshrl.u32 s6, $0x3  }
0xc: {  	s5 =	sadd.s32 $0x100, s1;
	[dreg:$0x4] =	wrdreg s2;
	s16 =	sadd.s32 s7, s15  }
0xd: {  	s23 =	sshrl.u32 s0, $0x1;
	s17 =	sadd.s32 $0xC00, s16;
	[dreg:$0xe] =	wrdreg s16  }
0xe: {  	s0 =	ssub.s32 s0, s23;
	s18 =	sadd.s32 $0x1800, s16;
	[dreg:$0x5] =	wrdreg s17  }
0xf: {  	s23 =	simm.s32 $0x8900;
	s19 =	sadd.s32 $0x2400, s16;
	[dreg:$0x6] =	wrdreg s18  }
0x10: {  	s4 =	simm.s32 $0x5;
	s20 =	sadd.s32 $0x3000, s16;
	[dreg:$0x7] =	wrdreg s19  }
0x11: {  	s8 =	simm.s32 $0x12100;
	s21 =	sadd.s32 $0x3C00, s16;
	[dreg:$0x8] =	wrdreg s20  }
0x12: {  	s6 =	sadd.s32 $0x200, s1;
	s22 =	sadd.s32 $0x4800, s16;
	[dreg:$0x9] =	wrdreg s21  }
0x13: {  	s7 =	smax.u32 s0, $0x1;
	s24 =	sadd.s32 $0x5400, s16;
	[dreg:$0xa] =	wrdreg s22  }
0x14: {  	v2 =	vlaneseq.u32;
	s15 =	simm.s32 $0x9900;
	s16 =	simm.s32 $0xA100;
	[dreg:$0xb] =	wrdreg s24  }
0x15: {  	vm0 =	vmmov $0xffff;
	v1 =	vshrl.u32 v2, $0x3;
	s21 =	simm.s32 $0x100;
	s24 =	simm.s32 $0x8100;
	s17 =	simm.s32 $0xA900  }
0x16: {  	v0 =	vand.u32 $0x7, v2;
	v2 =	vor.u32 $0x8, v2;
	v1 =	vmul.u32 $0x8, v1;
	s18 =	simm.s32 $0xB100;
	s19 =	simm.s32 $0xB900;
	s20 =	simm.s32 $0xC100  }
.LBB2_1:
0x17: {  	s22 =	rddreg [dreg:$0x4]  }
0x18: {  	s25 =	rddreg [dreg:$0xc]  }
0x19: {  	s26 =	rddreg [dreg:$0xd];
	s0 =	simm.s32 $0x9  }
0x1a: {  	[tilespmem:s3], [sflag:$0x9] =	stream.strided.gather [hbm4b:s22+s25], $0x100, s26, s25, $0x38;
	[tilespmem:$0x18100] =	vst v63  }
0x1b: {  	_ =	swait.ge [sflag:s0], $0x100  }
0x1c: {  	[sflag:s0] =	ssyncset.done $0x0  }
0x1d: {  	[sflag:s0] =	ssyncadd.s32 $0xFFFFFF00  }
0x1e: {  	v3 =	vld [tilespmem:$0x0];
	_ =	sdelay $0x4  }
0x1f: {  	v4 =	vshrl.u32 v3, $0x3  }
0x20: {  	v4 =	vmul.u32 $0x30, v4  }
0x21: {  	v3 =	vand.u32 $0x7, v3  }
0x22: {  	v3 =	vor.u32 v3, v4  }
0x23: {  	v4 =	vperm.xlane v3, v0;
	_ =	sdelay $0x1  }
0x24: {  	v4 =	vadd.s32 v1, v4;
	_ =	sdelay $0x3  }
0x25: {  	v3 =	vperm.xlane v3, v2  }
0x26: {  	[tilespmem:s21], [sflag:$0x1] =	stream.indirect_vreg.gather [hbm4b:s1+s3], $0x80, v4, vm0, $0xb8;
	[tilespmem:$0x18100] =	vst v63  }
0x27: {  	s25 =	simm.s32 $0x900;
	v3 =	vadd.s32 v1, v3  }
0x28: {  	[tilespmem:s25], [sflag:$0x1] =	stream.indirect_vreg.gather [hbm4b:s5+s3], $0x80, v4, vm0, $0xb8;
	[tilespmem:$0x18100] =	vst v63  }
0x29: {  	s26 =	simm.s32 $0x1100  }
0x2a: {  	[tilespmem:s26], [sflag:$0x1] =	stream.indirect_vreg.gather [hbm4b:s6+s3], $0x80, v4, vm0, $0xb8;
	[tilespmem:$0x18100] =	vst v63  }
0x2b: {  	_ = 	snop  }
0x2c: {  	[tilespmem:s28], [sflag:$0x1] =	stream.indirect_vreg.gather [hbm4b:s1+s3], $0x80, v3, vm0, $0xb8;
	[tilespmem:$0x18100] =	vst v63  }
0x2d: {  	_ = 	snop  }
0x2e: {  	[tilespmem:s29], [sflag:$0x1] =	stream.indirect_vreg.gather [hbm4b:s5+s3], $0x80, v3, vm0, $0xb8;
	[tilespmem:$0x18100] =	vst v63  }
0x2f: {  	_ = 	snop  }
0x30: {  	[tilespmem:s30], [sflag:$0x1] =	stream.indirect_vreg.gather [hbm4b:s6+s3], $0x80, v3, vm0, $0xb8;
	[tilespmem:$0x18100] =	vst v63  }
0x31: {  	v3 =	vld [tilespmem:$0x10];
	_ =	sdelay $0x4  }
0x32: {  	v49 =	vshrl.u32 v3, $0x3  }
0x33: {  	v4 =	vmul.u32 $0x30, v49  }
0x34: {  	v3 =	vand.u32 $0x7, v3  }
0x35: {  	v3 =	vor.u32 v3, v4  }
0x36: {  	v4 =	vperm.xlane v3, v0;
	_ =	sdelay $0x1  }
0x37: {  	v4 =	vadd.s32 v1, v4;
	_ =	sdelay $0x3  }
0x38: {  	v3 =	vperm.xlane v3, v2  }
0x39: {  	[tilespmem:s31], [sflag:$0x1] =	stream.indirect_vreg.gather [hbm4b:s1+s3], $0x80, v4, vm0, $0xb8;
	[tilespmem:$0x18100] =	vst v63  }
0x3a: {  	s10 =	simm.s32 $0x3900;
	v3 =	vadd.s32 v1, v3  }
0x3b: {  	[tilespmem:s10], [sflag:$0x1] =	stream.indirect_vreg.gather [hbm4b:s5+s3], $0x80, v4, vm0, $0xb8;
	[tilespmem:$0x18100] =	vst v63  }
0x3c: {  	s9 =	simm.s32 $0x4100  }
0x3d: {  	[tilespmem:s9], [sflag:$0x1] =	stream.indirect_vreg.gather [hbm4b:s6+s3], $0x80, v4, vm0, $0xb8;
	[tilespmem:$0x18100] =	vst v63  }
0x3e: {  	s11 =	simm.s32 $0x4900  }
0x3f: {  	[tilespmem:s11], [sflag:$0x1] =	stream.indirect_vreg.gather [hbm4b:s1+s3], $0x80, v3, vm0, $0xb8;
	[tilespmem:$0x18100] =	vst v63  }
0x40: {  	s12 =	simm.s32 $0x5100  }
0x41: {  	[tilespmem:s12], [sflag:$0x1] =	stream.indirect_vreg.gather [hbm4b:s5+s3], $0x80, v3, vm0, $0xb8;
	[tilespmem:$0x18100] =	vst v63  }
0x42: {  	s13 =	simm.s32 $0x5900  }
0x43: {  	[tilespmem:s13], [sflag:$0x1] =	stream.indirect_vreg.gather [hbm4b:s6+s3], $0x80, v3, vm0, $0xb8;
	[tilespmem:$0x18100] =	vst v63  }
0x44: {  	v3 =	vld [tilespmem:$0x20];
	_ =	sdelay $0x4  }
0x45: {  	v50 =	vshrl.u32 v3, $0x3  }
0x46: {  	v4 =	vmul.u32 $0x30, v50  }
0x47: {  	v3 =	vand.u32 $0x7, v3  }
0x48: {  	v3 =	vor.u32 v3, v4  }
0x49: {  	v4 =	vperm.xlane v3, v0;
	_ =	sdelay $0x1  }
0x4a: {  	v4 =	vadd.s32 v1, v4;
	_ =	sdelay $0x3  }
0x4b: {  	v3 =	vperm.xlane v3, v2  }
0x4c: {  	[tilespmem:s14], [sflag:$0x2] =	stream.indirect_vreg.gather [hbm4b:s1+s3], $0x80, v4, vm0, $0xb8;
	[tilespmem:$0x18100] =	vst v63  }
0x4d: {  	s22 =	simm.s32 $0x6900;
	v3 =	vadd.s32 v1, v3  }
0x4e: {  	[tilespmem:s22], [sflag:$0x2] =	stream.indirect_vreg.gather [hbm4b:s5+s3], $0x80, v4, vm0, $0xb8;
	[tilespmem:$0x18100] =	vst v63  }
0x4f: {  	s2 =	simm.s32 $0x7100  }
0x50: {  	[tilespmem:s2], [sflag:$0x2] =	stream.indirect_vreg.gather [hbm4b:s6+s3], $0x80, v4, vm0, $0xb8;
	[tilespmem:$0x18100] =	vst v63  }
0x51: {  	s22 =	simm.s32 $0x7900  }
0x52: {  	[tilespmem:s22], [sflag:$0x2] =	stream.indirect_vreg.gather [hbm4b:s1+s3], $0x80, v3, vm0, $0xb8;
	[tilespmem:$0x18100] =	vst v63  }
0x53: {  	_ = 	snop  }
0x54: {  	[tilespmem:s24], [sflag:$0x2] =	stream.indirect_vreg.gather [hbm4b:s5+s3], $0x80, v3, vm0, $0xb8;
	[tilespmem:$0x18100] =	vst v63  }
0x55: {  	_ = 	snop  }
0x56: {  	[tilespmem:s23], [sflag:$0x2] =	stream.indirect_vreg.gather [hbm4b:s6+s3], $0x80, v3, vm0, $0xb8;
	[tilespmem:$0x18100] =	vst v63  }
0x57: {  	v3 =	vld [tilespmem:$0x30];
	_ =	sdelay $0x4  }
0x58: {  	v51 =	vshrl.u32 v3, $0x3  }
0x59: {  	v4 =	vmul.u32 $0x30, v51  }
0x5a: {  	v3 =	vand.u32 $0x7, v3  }
0x5b: {  	v3 =	vor.u32 v3, v4  }
0x5c: {  	v4 =	vperm.xlane v3, v0;
	_ =	sdelay $0x1  }
0x5d: {  	v4 =	vadd.s32 v1, v4;
	_ =	sdelay $0x3  }
0x5e: {  	s2 =	simm.s32 $0x9100;
	v3 =	vperm.xlane v3, v2  }
0x5f: {  	[tilespmem:s2], [sflag:$0x2] =	stream.indirect_vreg.gather [hbm4b:s1+s3], $0x80, v4, vm0, $0xb8;
	[tilespmem:$0x18100] =	vst v63  }
0x60: {  	v3 =	vadd.s32 v1, v3  }
0x61: {  	[tilespmem:s15], [sflag:$0x2] =	stream.indirect_vreg.gather [hbm4b:s5+s3], $0x80, v4, vm0, $0xb8;
	[tilespmem:$0x18100] =	vst v63  }
0x62: {  	_ = 	snop  }
0x63: {  	[tilespmem:s16], [sflag:$0x2] =	stream.indirect_vreg.gather [hbm4b:s6+s3], $0x80, v4, vm0, $0xb8;
	[tilespmem:$0x18100] =	vst v63  }
0x64: {  	_ = 	snop  }
0x65: {  	[tilespmem:s17], [sflag:$0x2] =	stream.indirect_vreg.gather [hbm4b:s1+s3], $0x80, v3, vm0, $0xb8;
	[tilespmem:$0x18100] =	vst v63  }
0x66: {  	_ = 	snop  }
0x67: {  	[tilespmem:s18], [sflag:$0x2] =	stream.indirect_vreg.gather [hbm4b:s5+s3], $0x80, v3, vm0, $0xb8;
	[tilespmem:$0x18100] =	vst v63  }
0x68: {  	_ = 	snop  }
0x69: {  	[tilespmem:s19], [sflag:$0x2] =	stream.indirect_vreg.gather [hbm4b:s6+s3], $0x80, v3, vm0, $0xb8;
	[tilespmem:$0x18100] =	vst v63  }
0x6a: {  	v3 =	vld [tilespmem:$0x40];
	_ =	sdelay $0x4  }
0x6b: {  	v52 =	vshrl.u32 v3, $0x3  }
0x6c: {  	v4 =	vmul.u32 $0x30, v52  }
0x6d: {  	v3 =	vand.u32 $0x7, v3  }
0x6e: {  	v3 =	vor.u32 v3, v4  }
0x6f: {  	v4 =	vperm.xlane v3, v0;
	_ =	sdelay $0x1  }
0x70: {  	v4 =	vadd.s32 v1, v4;
	_ =	sdelay $0x3  }
0x71: {  	v3 =	vperm.xlane v3, v2  }
0x72: {  	[tilespmem:s20], [sflag:$0x3] =	stream.indirect_vreg.gather [hbm4b:s1+s3], $0x80, v4, vm0, $0xb8;
	[tilespmem:$0x18100] =	vst v63  }
0x73: {  	s22 =	simm.s32 $0xC900;
	v3 =	vadd.s32 v1, v3  }
0x74: {  	[tilespmem:s22], [sflag:$0x3] =	stream.indirect_vreg.gather [hbm4b:s5+s3], $0x80, v4, vm0, $0xb8;
	[tilespmem:$0x18100] =	vst v63  }
0x75: {  	s2 =	simm.s32 $0xD100  }
0x76: {  	[tilespmem:s2], [sflag:$0x3] =	stream.indirect_vreg.gather [hbm4b:s6+s3], $0x80, v4, vm0, $0xb8;
	[tilespmem:$0x18100] =	vst v63  }
0x77: {  	s22 =	simm.s32 $0xD900  }
0x78: {  	[tilespmem:s22], [sflag:$0x3] =	stream.indirect_vreg.gather [hbm4b:s1+s3], $0x80, v3, vm0, $0xb8;
	[tilespmem:$0x18100] =	vst v63  }
0x79: {  	s2 =	simm.s32 $0xE100  }
0x7a: {  	[tilespmem:s2], [sflag:$0x3] =	stream.indirect_vreg.gather [hbm4b:s5+s3], $0x80, v3, vm0, $0xb8;
	[tilespmem:$0x18100] =	vst v63  }
0x7b: {  	s22 =	simm.s32 $0xE900  }
0x7c: {  	[tilespmem:s22], [sflag:$0x3] =	stream.indirect_vreg.gather [hbm4b:s6+s3], $0x80, v3, vm0, $0xb8;
	[tilespmem:$0x18100] =	vst v63  }
0x7d: {  	v3 =	vld [tilespmem:$0x50];
	_ =	sdelay $0x4  }
0x7e: {  	v53 =	vshrl.u32 v3, $0x3  }
0x7f: {  	v4 =	vmul.u32 $0x30, v53  }
0x80: {  	v3 =	vand.u32 $0x7, v3  }
0x81: {  	v3 =	vor.u32 v3, v4  }
0x82: {  	v4 =	vperm.xlane v3, v0;
	_ =	sdelay $0x1  }
0x83: {  	v4 =	vadd.s32 v1, v4;
	_ =	sdelay $0x3  }
0x84: {  	s2 =	simm.s32 $0xF100;
	v3 =	vperm.xlane v3, v2  }
0x85: {  	[tilespmem:s2], [sflag:$0x3] =	stream.indirect_vreg.gather [hbm4b:s1+s3], $0x80, v4, vm0, $0xb8;
	[tilespmem:$0x18100] =	vst v63  }
0x86: {  	s22 =	simm.s32 $0xF900;
	v3 =	vadd.s32 v1, v3  }
0x87: {  	[tilespmem:s22], [sflag:$0x3] =	stream.indirect_vreg.gather [hbm4b:s5+s3], $0x80, v4, vm0, $0xb8;
	[tilespmem:$0x18100] =	vst v63  }
0x88: {  	s2 =	simm.s32 $0x10100  }
0x89: {  	[tilespmem:s2], [sflag:$0x3] =	stream.indirect_vreg.gather [hbm4b:s6+s3], $0x80, v4, vm0, $0xb8;
	[tilespmem:$0x18100] =	vst v63  }
0x8a: {  	s22 =	simm.s32 $0x10900  }
0x8b: {  	[tilespmem:s22], [sflag:$0x3] =	stream.indirect_vreg.gather [hbm4b:s1+s3], $0x80, v3, vm0, $0xb8;
	[tilespmem:$0x18100] =	vst v63  }
0x8c: {  	s2 =	simm.s32 $0x11100  }
0x8d: {  	[tilespmem:s2], [sflag:$0x3] =	stream.indirect_vreg.gather [hbm4b:s5+s3], $0x80, v3, vm0, $0xb8;
	[tilespmem:$0x18100] =	vst v63  }
0x8e: {  	s0 =	simm.s32 $0x1;
	s22 =	simm.s32 $0x11900  }
0x8f: {  	[tilespmem:s22], [sflag:$0x3] =	stream.indirect_vreg.gather [hbm4b:s6+s3], $0x80, v3, vm0, $0xb8;
	[tilespmem:$0x18100] =	vst v63  }
0x90: {  	_ =	swait.ge [sflag:s0], $0x6000  }
0x91: {  	[sflag:s0] =	ssyncset.done $0x0  }
0x92: {  	s2 =	rddreg [dreg:$0xe];
	[sflag:s0] =	ssyncadd.s32 $0xFFFFA000  }
0x93: {  	[hbm4b:s2+s3] =	stream.linear.scatter [tilespmem:s21], [sflag:$0x5], $0x6000, $0x38;
	[tilespmem:$0x18100] =	vst v63  }
0x94: {  	v3 =	vld [tilespmem:$0x60];
	_ =	sdelay $0x4  }
0x95: {  	v54 =	vshrl.u32 v3, $0x3  }
0x96: {  	v4 =	vmul.u32 $0x30, v54  }
0x97: {  	v3 =	vand.u32 $0x7, v3  }
0x98: {  	v3 =	vor.u32 v3, v4  }
0x99: {  	v4 =	vperm.xlane v3, v0;
	_ =	sdelay $0x1  }
0x9a: {  	v4 =	vadd.s32 v1, v4;
	_ =	sdelay $0x3  }
0x9b: {  	v3 =	vperm.xlane v3, v2  }
0x9c: {  	[tilespmem:s8], [sflag:$0x4] =	stream.indirect_vreg.gather [hbm4b:s1+s3], $0x80, v4, vm0, $0xb8;
	[tilespmem:$0x18100] =	vst v63  }
0x9d: {  	s2 =	simm.s32 $0x12900;
	v3 =	vadd.s32 v1, v3  }
0x9e: {  	[tilespmem:s2], [sflag:$0x4] =	stream.indirect_vreg.gather [hbm4b:s5+s3], $0x80, v4, vm0, $0xb8;
	[tilespmem:$0x18100] =	vst v63  }
0x9f: {  	s22 =	simm.s32 $0x13100  }
0xa0: {  	[tilespmem:s22], [sflag:$0x4] =	stream.indirect_vreg.gather [hbm4b:s6+s3], $0x80, v4, vm0, $0xb8;
	[tilespmem:$0x18100] =	vst v63  }
0xa1: {  	s22 =	simm.s32 $0x13900  }
0xa2: {  	[tilespmem:s22], [sflag:$0x4] =	stream.indirect_vreg.gather [hbm4b:s1+s3], $0x80, v3, vm0, $0xb8;
	[tilespmem:$0x18100] =	vst v63  }
0xa3: {  	s22 =	simm.s32 $0x14100  }
0xa4: {  	[tilespmem:s22], [sflag:$0x4] =	stream.indirect_vreg.gather [hbm4b:s5+s3], $0x80, v3, vm0, $0xb8;
	[tilespmem:$0x18100] =	vst v63  }
0xa5: {  	s22 =	simm.s32 $0x14900  }
0xa6: {  	[tilespmem:s22], [sflag:$0x4] =	stream.indirect_vreg.gather [hbm4b:s6+s3], $0x80, v3, vm0, $0xb8;
	[tilespmem:$0x18100] =	vst v63  }
0xa7: {  	v3 =	vld [tilespmem:$0x70];
	_ =	sdelay $0x4  }
0xa8: {  	v55 =	vshrl.u32 v3, $0x3  }
0xa9: {  	v4 =	vmul.u32 $0x30, v55  }
0xaa: {  	v3 =	vand.u32 $0x7, v3  }
0xab: {  	v3 =	vor.u32 v3, v4  }
0xac: {  	v4 =	vperm.xlane v3, v0;
	_ =	sdelay $0x1  }
0xad: {  	v4 =	vadd.s32 v1, v4;
	_ =	sdelay $0x3  }
0xae: {  	s22 =	simm.s32 $0x15100;
	v3 =	vperm.xlane v3, v2  }
0xaf: {  	[tilespmem:s22], [sflag:$0x4] =	stream.indirect_vreg.gather [hbm4b:s1+s3], $0x80, v4, vm0, $0xb8;
	[tilespmem:$0x18100] =	vst v63  }
0xb0: {  	v3 =	vadd.s32 v1, v3;
	s22 =	simm.s32 $0x15900  }
0xb1: {  	[tilespmem:s22], [sflag:$0x4] =	stream.indirect_vreg.gather [hbm4b:s5+s3], $0x80, v4, vm0, $0xb8;
	[tilespmem:$0x18100] =	vst v63  }
0xb2: {  	s22 =	simm.s32 $0x16100  }
0xb3: {  	[tilespmem:s22], [sflag:$0x4] =	stream.indirect_vreg.gather [hbm4b:s6+s3], $0x80, v4, vm0, $0xb8;
	[tilespmem:$0x18100] =	vst v63  }
0xb4: {  	s22 =	simm.s32 $0x16900  }
0xb5: {  	[tilespmem:s22], [sflag:$0x4] =	stream.indirect_vreg.gather [hbm4b:s1+s3], $0x80, v3, vm0, $0xb8;
	[tilespmem:$0x18100] =	vst v63  }
0xb6: {  	s22 =	simm.s32 $0x17100  }
0xb7: {  	[tilespmem:s22], [sflag:$0x4] =	stream.indirect_vreg.gather [hbm4b:s5+s3], $0x80, v3, vm0, $0xb8;
	[tilespmem:$0x18100] =	vst v63  }
0xb8: {  	s2 =	simm.s32 $0x2;
	s22 =	simm.s32 $0x17900  }
0xb9: {  	[tilespmem:s22], [sflag:$0x4] =	stream.indirect_vreg.gather [hbm4b:s6+s3], $0x80, v3, vm0, $0xb8;
	[tilespmem:$0x18100] =	vst v63  }
0xba: {  	_ =	swait.ge [sflag:s2], $0x6000  }
0xbb: {  	[sflag:s2] =	ssyncset.done $0x0  }
0xbc: {  	s22 =	rddreg [dreg:$0x5];
	[sflag:s2] =	ssyncadd.s32 $0xFFFFA000  }
0xbd: {  	[hbm4b:s22+s3] =	stream.linear.scatter [tilespmem:s14], [sflag:$0x6], $0x6000, $0x38;
	[tilespmem:$0x18100] =	vst v63  }
0xbe: {  	_ =	swait.ge [sflag:s4], $0x6000  }
0xbf: {  	[sflag:s4] =	ssyncset.done $0x0  }
0xc0: {  	[sflag:s4] =	ssyncadd.s32 $0xFFFFA000  }
0xc1: {  	v3 =	vld [tilespmem:$0x80];
	_ =	sdelay $0x4  }
0xc2: {  	v56 =	vshrl.u32 v3, $0x3  }
0xc3: {  	v4 =	vmul.u32 $0x30, v56  }
0xc4: {  	v3 =	vand.u32 $0x7, v3  }
0xc5: {  	v3 =	vor.u32 v3, v4  }
0xc6: {  	v4 =	vperm.xlane v3, v0;
	_ =	sdelay $0x1  }
0xc7: {  	v4 =	vadd.s32 v1, v4;
	_ =	sdelay $0x3  }
0xc8: {  	v3 =	vperm.xlane v3, v2  }
0xc9: {  	[tilespmem:s21], [sflag:$0x1] =	stream.indirect_vreg.gather [hbm4b:s1+s3], $0x80, v4, vm0, $0xb8;
	[tilespmem:$0x18100] =	vst v63  }
0xca: {  	v3 =	vadd.s32 v1, v3  }
0xcb: {  	[tilespmem:s25], [sflag:$0x1] =	stream.indirect_vreg.gather [hbm4b:s5+s3], $0x80, v4, vm0, $0xb8;
	[tilespmem:$0x18100] =	vst v63  }
0xcc: {  	_ = 	snop  }
0xcd: {  	[tilespmem:s26], [sflag:$0x1] =	stream.indirect_vreg.gather [hbm4b:s6+s3], $0x80, v4, vm0, $0xb8;
	[tilespmem:$0x18100] =	vst v63  }
0xce: {  	_ = 	snop  }
0xcf: {  	[tilespmem:s28], [sflag:$0x1] =	stream.indirect_vreg.gather [hbm4b:s1+s3], $0x80, v3, vm0, $0xb8;
	[tilespmem:$0x18100] =	vst v63  }
0xd0: {  	_ = 	snop  }
0xd1: {  	[tilespmem:s29], [sflag:$0x1] =	stream.indirect_vreg.gather [hbm4b:s5+s3], $0x80, v3, vm0, $0xb8;
	[tilespmem:$0x18100] =	vst v63  }
0xd2: {  	_ = 	snop  }
0xd3: {  	[tilespmem:s30], [sflag:$0x1] =	stream.indirect_vreg.gather [hbm4b:s6+s3], $0x80, v3, vm0, $0xb8;
	[tilespmem:$0x18100] =	vst v63  }
0xd4: {  	v3 =	vld [tilespmem:$0x90];
	_ =	sdelay $0x4  }
0xd5: {  	v57 =	vshrl.u32 v3, $0x3  }
0xd6: {  	v4 =	vmul.u32 $0x30, v57  }
0xd7: {  	v3 =	vand.u32 $0x7, v3  }
0xd8: {  	v3 =	vor.u32 v3, v4  }
0xd9: {  	v4 =	vperm.xlane v3, v0;
	_ =	sdelay $0x1  }
0xda: {  	v4 =	vadd.s32 v1, v4;
	_ =	sdelay $0x3  }
0xdb: {  	v3 =	vperm.xlane v3, v2  }
0xdc: {  	[tilespmem:s31], [sflag:$0x1] =	stream.indirect_vreg.gather [hbm4b:s1+s3], $0x80, v4, vm0, $0xb8;
	[tilespmem:$0x18100] =	vst v63  }
0xdd: {  	v3 =	vadd.s32 v1, v3  }
0xde: {  	[tilespmem:s10], [sflag:$0x1] =	stream.indirect_vreg.gather [hbm4b:s5+s3], $0x80, v4, vm0, $0xb8;
	[tilespmem:$0x18100] =	vst v63  }
0xdf: {  	_ = 	snop  }
0xe0: {  	[tilespmem:s9], [sflag:$0x1] =	stream.indirect_vreg.gather [hbm4b:s6+s3], $0x80, v4, vm0, $0xb8;
	[tilespmem:$0x18100] =	vst v63  }
0xe1: {  	_ = 	snop  }
0xe2: {  	[tilespmem:s11], [sflag:$0x1] =	stream.indirect_vreg.gather [hbm4b:s1+s3], $0x80, v3, vm0, $0xb8;
	[tilespmem:$0x18100] =	vst v63  }
0xe3: {  	_ = 	snop  }
0xe4: {  	[tilespmem:s12], [sflag:$0x1] =	stream.indirect_vreg.gather [hbm4b:s5+s3], $0x80, v3, vm0, $0xb8;
	[tilespmem:$0x18100] =	vst v63  }
0xe5: {  	s9 =	simm.s32 $0x3  }
0xe6: {  	[tilespmem:s13], [sflag:$0x1] =	stream.indirect_vreg.gather [hbm4b:s6+s3], $0x80, v3, vm0, $0xb8;
	[tilespmem:$0x18100] =	vst v63  }
0xe7: {  	_ =	swait.ge [sflag:s9], $0x6000  }
0xe8: {  	[sflag:s9] =	ssyncset.done $0x0  }
0xe9: {  	s10 =	simm.s32 $0x6;
	s13 =	rddreg [dreg:$0x6];
	[sflag:s9] =	ssyncadd.s32 $0xFFFFA000  }
0xea: {  	[hbm4b:s13+s3] =	stream.linear.scatter [tilespmem:s20], [sflag:$0x7], $0x6000, $0x38;
	[tilespmem:$0x18100] =	vst v63  }
0xeb: {  	_ =	swait.ge [sflag:s10], $0x6000  }
0xec: {  	[sflag:s10] =	ssyncset.done $0x0  }
0xed: {  	[sflag:s10] =	ssyncadd.s32 $0xFFFFA000  }
0xee: {  	v3 =	vld [tilespmem:$0xA0];
	_ =	sdelay $0x4  }
0xef: {  	v58 =	vshrl.u32 v3, $0x3  }
0xf0: {  	v4 =	vmul.u32 $0x30, v58  }
0xf1: {  	v3 =	vand.u32 $0x7, v3  }
0xf2: {  	v3 =	vor.u32 v3, v4  }
0xf3: {  	v4 =	vperm.xlane v3, v0;
	_ =	sdelay $0x1  }
0xf4: {  	v4 =	vadd.s32 v1, v4;
	_ =	sdelay $0x3  }
0xf5: {  	v3 =	vperm.xlane v3, v2  }
0xf6: {  	[tilespmem:s14], [sflag:$0x2] =	stream.indirect_vreg.gather [hbm4b:s1+s3], $0x80, v4, vm0, $0xb8;
	[tilespmem:$0x18100] =	vst v63  }
0xf7: {  	s22 =	simm.s32 $0x6900;
	v3 =	vadd.s32 v1, v3  }
0xf8: {  	[tilespmem:s22], [sflag:$0x2] =	stream.indirect_vreg.gather [hbm4b:s5+s3], $0x80, v4, vm0, $0xb8;
	[tilespmem:$0x18100] =	vst v63  }
0xf9: {  	s25 =	simm.s32 $0x7100  }
0xfa: {  	[tilespmem:s25], [sflag:$0x2] =	stream.indirect_vreg.gather [hbm4b:s6+s3], $0x80, v4, vm0, $0xb8;
	[tilespmem:$0x18100] =	vst v63  }
0xfb: {  	s26 =	simm.s32 $0x7900  }
0xfc: {  	[tilespmem:s26], [sflag:$0x2] =	stream.indirect_vreg.gather [hbm4b:s1+s3], $0x80, v3, vm0, $0xb8;
	[tilespmem:$0x18100] =	vst v63  }
0xfd: {  	_ = 	snop  }
0xfe: {  	[tilespmem:s24], [sflag:$0x2] =	stream.indirect_vreg.gather [hbm4b:s5+s3], $0x80, v3, vm0, $0xb8;
	[tilespmem:$0x18100] =	vst v63  }
0xff: {  	_ = 	snop  }
0x100: {  	[tilespmem:s23], [sflag:$0x2] =	stream.indirect_vreg.gather [hbm4b:s6+s3], $0x80, v3, vm0, $0xb8;
	[tilespmem:$0x18100] =	vst v63  }
0x101: {  	v3 =	vld [tilespmem:$0xB0];
	_ =	sdelay $0x4  }
0x102: {  	v59 =	vshrl.u32 v3, $0x3  }
0x103: {  	v4 =	vmul.u32 $0x30, v59  }
0x104: {  	v3 =	vand.u32 $0x7, v3  }
0x105: {  	v3 =	vor.u32 v3, v4  }
0x106: {  	v4 =	vperm.xlane v3, v0;
	_ =	sdelay $0x1  }
0x107: {  	v4 =	vadd.s32 v1, v4;
	_ =	sdelay $0x3  }
0x108: {  	s12 =	simm.s32 $0x9100;
	v3 =	vperm.xlane v3, v2  }
0x109: {  	[tilespmem:s12], [sflag:$0x2] =	stream.indirect_vreg.gather [hbm4b:s1+s3], $0x80, v4, vm0, $0xb8;
	[tilespmem:$0x18100] =	vst v63  }
0x10a: {  	v3 =	vadd.s32 v1, v3  }
0x10b: {  	[tilespmem:s15], [sflag:$0x2] =	stream.indirect_vreg.gather [hbm4b:s5+s3], $0x80, v4, vm0, $0xb8;
	[tilespmem:$0x18100] =	vst v63  }
0x10c: {  	_ = 	snop  }
0x10d: {  	[tilespmem:s16], [sflag:$0x2] =	stream.indirect_vreg.gather [hbm4b:s6+s3], $0x80, v4, vm0, $0xb8;
	[tilespmem:$0x18100] =	vst v63  }
0x10e: {  	_ = 	snop  }
0x10f: {  	[tilespmem:s17], [sflag:$0x2] =	stream.indirect_vreg.gather [hbm4b:s1+s3], $0x80, v3, vm0, $0xb8;
	[tilespmem:$0x18100] =	vst v63  }
0x110: {  	_ = 	snop  }
0x111: {  	[tilespmem:s18], [sflag:$0x2] =	stream.indirect_vreg.gather [hbm4b:s5+s3], $0x80, v3, vm0, $0xb8;
	[tilespmem:$0x18100] =	vst v63  }
0x112: {  	s11 =	simm.s32 $0x4  }
0x113: {  	[tilespmem:s19], [sflag:$0x2] =	stream.indirect_vreg.gather [hbm4b:s6+s3], $0x80, v3, vm0, $0xb8;
	[tilespmem:$0x18100] =	vst v63  }
0x114: {  	_ =	swait.ge [sflag:s11], $0x6000  }
0x115: {  	[sflag:s11] =	ssyncset.done $0x0  }
0x116: {  	s12 =	simm.s32 $0x7;
	s13 =	rddreg [dreg:$0x7];
	[sflag:s11] =	ssyncadd.s32 $0xFFFFA000  }
0x117: {  	[hbm4b:s13+s3] =	stream.linear.scatter [tilespmem:s8], [sflag:$0x8], $0x6000, $0x38;
	[tilespmem:$0x18100] =	vst v63  }
0x118: {  	_ =	swait.ge [sflag:s12], $0x6000  }
0x119: {  	[sflag:s12] =	ssyncset.done $0x0  }
0x11a: {  	[sflag:s12] =	ssyncadd.s32 $0xFFFFA000  }
0x11b: {  	v3 =	vld [tilespmem:$0xC0];
	_ =	sdelay $0x4  }
0x11c: {  	v60 =	vshrl.u32 v3, $0x3  }
0x11d: {  	v4 =	vmul.u32 $0x30, v60  }
0x11e: {  	v3 =	vand.u32 $0x7, v3  }
0x11f: {  	v3 =	vor.u32 v3, v4  }
0x120: {  	v4 =	vperm.xlane v3, v0;
	_ =	sdelay $0x1  }
0x121: {  	v4 =	vadd.s32 v1, v4;
	_ =	sdelay $0x3  }
0x122: {  	v3 =	vperm.xlane v3, v2  }
0x123: {  	[tilespmem:s20], [sflag:$0x3] =	stream.indirect_vreg.gather [hbm4b:s1+s3], $0x80, v4, vm0, $0xb8;
	[tilespmem:$0x18100] =	vst v63  }
0x124: {  	s25 =	simm.s32 $0xC900;
	v3 =	vadd.s32 v1, v3  }
0x125: {  	[tilespmem:s25], [sflag:$0x3] =	stream.indirect_vreg.gather [hbm4b:s5+s3], $0x80, v4, vm0, $0xb8;
	[tilespmem:$0x18100] =	vst v63  }
0x126: {  	s26 =	simm.s32 $0xD100  }
0x127: {  	[tilespmem:s26], [sflag:$0x3] =	stream.indirect_vreg.gather [hbm4b:s6+s3], $0x80, v4, vm0, $0xb8;
	[tilespmem:$0x18100] =	vst v63  }
0x128: {  	s22 =	simm.s32 $0xD900  }
0x129: {  	[tilespmem:s22], [sflag:$0x3] =	stream.indirect_vreg.gather [hbm4b:s1+s3], $0x80, v3, vm0, $0xb8;
	[tilespmem:$0x18100] =	vst v63  }
0x12a: {  	s25 =	simm.s32 $0xE100  }
0x12b: {  	[tilespmem:s25], [sflag:$0x3] =	stream.indirect_vreg.gather [hbm4b:s5+s3], $0x80, v3, vm0, $0xb8;
	[tilespmem:$0x18100] =	vst v63  }
0x12c: {  	s26 =	simm.s32 $0xE900  }
0x12d: {  	[tilespmem:s26], [sflag:$0x3] =	stream.indirect_vreg.gather [hbm4b:s6+s3], $0x80, v3, vm0, $0xb8;
	[tilespmem:$0x18100] =	vst v63  }
0x12e: {  	v3 =	vld [tilespmem:$0xD0];
	_ =	sdelay $0x4  }
0x12f: {  	v61 =	vshrl.u32 v3, $0x3  }
0x130: {  	v4 =	vmul.u32 $0x30, v61  }
0x131: {  	v3 =	vand.u32 $0x7, v3  }
0x132: {  	v3 =	vor.u32 v3, v4  }
0x133: {  	v4 =	vperm.xlane v3, v0;
	_ =	sdelay $0x1  }
0x134: {  	v4 =	vadd.s32 v1, v4;
	_ =	sdelay $0x3  }
0x135: {  	s22 =	simm.s32 $0xF100;
	v3 =	vperm.xlane v3, v2  }
0x136: {  	[tilespmem:s22], [sflag:$0x3] =	stream.indirect_vreg.gather [hbm4b:s1+s3], $0x80, v4, vm0, $0xb8;
	[tilespmem:$0x18100] =	vst v63  }
0x137: {  	s25 =	simm.s32 $0xF900;
	v3 =	vadd.s32 v1, v3  }
0x138: {  	[tilespmem:s25], [sflag:$0x3] =	stream.indirect_vreg.gather [hbm4b:s5+s3], $0x80, v4, vm0, $0xb8;
	[tilespmem:$0x18100] =	vst v63  }
0x139: {  	s26 =	simm.s32 $0x10100  }
0x13a: {  	[tilespmem:s26], [sflag:$0x3] =	stream.indirect_vreg.gather [hbm4b:s6+s3], $0x80, v4, vm0, $0xb8;
	[tilespmem:$0x18100] =	vst v63  }
0x13b: {  	s22 =	simm.s32 $0x10900  }
0x13c: {  	[tilespmem:s22], [sflag:$0x3] =	stream.indirect_vreg.gather [hbm4b:s1+s3], $0x80, v3, vm0, $0xb8;
	[tilespmem:$0x18100] =	vst v63  }
0x13d: {  	s25 =	simm.s32 $0x11100  }
0x13e: {  	[tilespmem:s25], [sflag:$0x3] =	stream.indirect_vreg.gather [hbm4b:s5+s3], $0x80, v3, vm0, $0xb8;
	[tilespmem:$0x18100] =	vst v63  }
0x13f: {  	s26 =	simm.s32 $0x11900  }
0x140: {  	[tilespmem:s26], [sflag:$0x3] =	stream.indirect_vreg.gather [hbm4b:s6+s3], $0x80, v3, vm0, $0xb8;
	[tilespmem:$0x18100] =	vst v63  }
0x141: {  	_ =	swait.ge [sflag:s0], $0x6000  }
0x142: {  	[sflag:s0] =	ssyncset.done $0x0  }
0x143: {  	s13 =	rddreg [dreg:$0x8];
	[sflag:s0] =	ssyncadd.s32 $0xFFFFA000;
	s0 =	simm.s32 $0x8  }
0x144: {  	[hbm4b:s13+s3] =	stream.linear.scatter [tilespmem:s21], [sflag:$0x5], $0x6000, $0x38;
	[tilespmem:$0x18100] =	vst v63  }
0x145: {  	_ =	swait.ge [sflag:s0], $0x6000  }
0x146: {  	[sflag:s0] =	ssyncset.done $0x0  }
0x147: {  	[sflag:s0] =	ssyncadd.s32 $0xFFFFA000  }
0x148: {  	v3 =	vld [tilespmem:$0xE0];
	_ =	sdelay $0x4  }
0x149: {  	v62 =	vshrl.u32 v3, $0x3  }
0x14a: {  	v4 =	vmul.u32 $0x30, v62  }
0x14b: {  	v3 =	vand.u32 $0x7, v3  }
0x14c: {  	v3 =	vor.u32 v3, v4  }
0x14d: {  	v4 =	vperm.xlane v3, v0;
	_ =	sdelay $0x1  }
0x14e: {  	v4 =	vadd.s32 v1, v4;
	_ =	sdelay $0x3  }
0x14f: {  	v3 =	vperm.xlane v3, v2  }
0x150: {  	[tilespmem:s8], [sflag:$0x4] =	stream.indirect_vreg.gather [hbm4b:s1+s3], $0x80, v4, vm0, $0xb8;
	[tilespmem:$0x18100] =	vst v63  }
0x151: {  	s25 =	simm.s32 $0x12900;
	v3 =	vadd.s32 v1, v3  }
0x152: {  	[tilespmem:s25], [sflag:$0x4] =	stream.indirect_vreg.gather [hbm4b:s5+s3], $0x80, v4, vm0, $0xb8;
	[tilespmem:$0x18100] =	vst v63  }
0x153: {  	s26 =	simm.s32 $0x13100  }
0x154: {  	[tilespmem:s26], [sflag:$0x4] =	stream.indirect_vreg.gather [hbm4b:s6+s3], $0x80, v4, vm0, $0xb8;
	[tilespmem:$0x18100] =	vst v63  }
0x155: {  	s22 =	simm.s32 $0x13900  }
0x156: {  	[tilespmem:s22], [sflag:$0x4] =	stream.indirect_vreg.gather [hbm4b:s1+s3], $0x80, v3, vm0, $0xb8;
	[tilespmem:$0x18100] =	vst v63  }
0x157: {  	s25 =	simm.s32 $0x14100  }
0x158: {  	[tilespmem:s25], [sflag:$0x4] =	stream.indirect_vreg.gather [hbm4b:s5+s3], $0x80, v3, vm0, $0xb8;
	[tilespmem:$0x18100] =	vst v63  }
0x159: {  	s26 =	simm.s32 $0x14900  }
0x15a: {  	[tilespmem:s26], [sflag:$0x4] =	stream.indirect_vreg.gather [hbm4b:s6+s3], $0x80, v3, vm0, $0xb8;
	[tilespmem:$0x18100] =	vst v63  }
0x15b: {  	v3 =	vld [tilespmem:$0xF0];
	_ =	sdelay $0x4  }
0x15c: {  	v63 =	vshrl.u32 v3, $0x3  }
0x15d: {  	v4 =	vmul.u32 $0x30, v63  }
0x15e: {  	v3 =	vand.u32 $0x7, v3  }
0x15f: {  	v3 =	vor.u32 v3, v4  }
0x160: {  	v4 =	vperm.xlane v3, v0;
	_ =	sdelay $0x1  }
0x161: {  	v4 =	vadd.s32 v1, v4;
	_ =	sdelay $0x3  }
0x162: {  	s22 =	simm.s32 $0x15100;
	v3 =	vperm.xlane v3, v2  }
0x163: {  	[tilespmem:s22], [sflag:$0x4] =	stream.indirect_vreg.gather [hbm4b:s1+s3], $0x80, v4, vm0, $0xb8;
	[tilespmem:$0x18100] =	vst v63  }
0x164: {  	s25 =	simm.s32 $0x15900;
	v3 =	vadd.s32 v1, v3  }
0x165: {  	[tilespmem:s25], [sflag:$0x4] =	stream.indirect_vreg.gather [hbm4b:s5+s3], $0x80, v4, vm0, $0xb8;
	[tilespmem:$0x18100] =	vst v63  }
0x166: {  	s26 =	simm.s32 $0x16100  }
0x167: {  	[tilespmem:s26], [sflag:$0x4] =	stream.indirect_vreg.gather [hbm4b:s6+s3], $0x80, v4, vm0, $0xb8;
	[tilespmem:$0x18100] =	vst v63  }
0x168: {  	s22 =	simm.s32 $0x16900  }
0x169: {  	[tilespmem:s22], [sflag:$0x4] =	stream.indirect_vreg.gather [hbm4b:s1+s3], $0x80, v3, vm0, $0xb8;
	[tilespmem:$0x18100] =	vst v63  }
0x16a: {  	s25 =	simm.s32 $0x17100  }
0x16b: {  	[tilespmem:s25], [sflag:$0x4] =	stream.indirect_vreg.gather [hbm4b:s5+s3], $0x80, v3, vm0, $0xb8;
	[tilespmem:$0x18100] =	vst v63  }
0x16c: {  	s26 =	simm.s32 $0x17900  }
0x16d: {  	[tilespmem:s26], [sflag:$0x4] =	stream.indirect_vreg.gather [hbm4b:s6+s3], $0x80, v3, vm0, $0xb8;
	[tilespmem:$0x18100] =	vst v63  }
0x16e: {  	_ =	swait.ge [sflag:s2], $0x6000  }
0x16f: {  	[sflag:s2] =	ssyncset.done $0x0  }
0x170: {  	s13 =	rddreg [dreg:$0x9];
	[sflag:s2] =	ssyncadd.s32 $0xFFFFA000  }
0x171: {  	[hbm4b:s13+s3] =	stream.linear.scatter [tilespmem:s14], [sflag:$0x6], $0x6000, $0x38;
	[tilespmem:$0x18100] =	vst v63  }
0x172: {  	_ =	swait.ge [sflag:s9], $0x6000  }
0x173: {  	[sflag:s9] =	ssyncset.done $0x0  }
0x174: {  	s25 =	rddreg [dreg:$0xa];
	[sflag:s9] =	ssyncadd.s32 $0xFFFFA000  }
0x175: {  	[hbm4b:s25+s3] =	stream.linear.scatter [tilespmem:s20], [sflag:$0x7], $0x6000, $0x38;
	[tilespmem:$0x18100] =	vst v63  }
0x176: {  	_ =	swait.ge [sflag:s11], $0x6000  }
0x177: {  	[sflag:s11] =	ssyncset.done $0x0  }
0x178: {  	s26 =	rddreg [dreg:$0xb];
	[sflag:s11] =	ssyncadd.s32 $0xFFFFA000  }
0x179: {  	[hbm4b:s26+s3] =	stream.linear.scatter [tilespmem:s8], [sflag:$0x8], $0x6000, $0x38;
	[tilespmem:$0x18100] =	vst v63  }
0x17a: {  	_ =	swait.ge [sflag:s4], $0x6000  }
0x17b: {  	[sflag:s4] =	ssyncset.done $0x0  }
0x17c: {  	[sflag:s4] =	ssyncadd.s32 $0xFFFFA000  }
0x17d: {  	_ =	swait.ge [sflag:s10], $0x6000  }
0x17e: {  	[sflag:s10] =	ssyncset.done $0x0  }
0x17f: {  	[sflag:s10] =	ssyncadd.s32 $0xFFFFA000  }
0x180: {  	p0 =	sne.s32 s7, $0x1;
	_ =	swait.ge [sflag:s12], $0x6000  }
.Ltmp0:
0x181: {  	[sflag:s12] =	ssyncset.done $0x0;
	(pc) =	sbr.rel @p0 .LBB2_1-.Ltmp0, $4  }
0x182: {  	[sflag:s12] =	ssyncadd.s32 $0xFFFFA000  }
0x183: {  	_ =	swait.ge [sflag:s0], $0x6000  }
0x184: {  	[sflag:s0] =	ssyncset.done $0x0  }
0x185: {  	s7 =	sadd.s32 $0xFFFFFFFF, s7;
	[sflag:s0] =	ssyncadd.s32 $0xFFFFA000  }
0x186: {  	_ =	sfence.sel $0x180000  }
0x187: {  	[bflag:$0x0] =	sbarrier.arrive $0xFFFF  }
0x188: {  	_ =	strace $0x90000047  }
0x189: {  	s0 =	stileid.u32;
	[bflag:$0x2] =	sbarrier.arrive $0xFFFF  }
0x18a: {  	p0 =	sne.s32 s0, $0x0;
	s0 =	rddreg [dreg:$0x3]  }
0x18b: {  	s0 =	sadd.s32 @!p0 $0x100000, s0  }
0x18c: {  	[sflag:s0] =	ssyncadd.tile.s32 @!p0 $0x1;
	_ =	shalt  }
.Lfunc_end2:
_tile_overlayer_lowered:
.L_overlay_start_2:
0x18d: {  	(tag) =	ssettag $0x2  }
0x18e: {  	s0 =	rddreg [dreg:$0x0];
	s2 =	stileid.u32  }
0x18f: {  	s1 =	rddreg [dreg:$0x1];
	p0 =	sne.s32 s2, $0x0  }
0x190: {  	s3 =	rddreg [dreg:$0x2];
	[bflag:$0x3] =	sbarrier.arrive $0xFFFF;
	s2 =	simm.s32 @!p0 $0x1C09  }
0x191: {  	[timem:s3], [sflag:s2] =	dma.local @!p0 [hbm:s0], s1  }
0x192: {  	s0 =	simm.s32 @!p0 $0x9  }
0x193: {  	_ =	swait.ge @!p0 [sflag:s0], s1  }
0x194: {  	s1 =	ssub.s32 @!p0 $0x0, s1;
	[sflag:s0] =	ssyncset.done @!p0 $0x0  }
0x195: {  	[sflag:s0] =	ssyncadd.s32 @!p0 s1  }
0x196: {  	[bflag:$0x3] =	sbarrier.arrive $0xFFFF  }
0x197: {  	_ =	shalt  }

</sc_bundles>
